<compile_context>
chip_gen: v7x
topology: tpu7x:2x2x1
jax: 0.10.2.dev20260603
libtpu: 0.0.44.dev20260713+nightly
codegen_flags: <defaults>
</compile_context>

<pallas_src>
import dataclasses
import functools

import jax
import jax.numpy as jnp
from jax import lax
from jax.experimental import pallas as pl
from jax.experimental.pallas import tpu as pltpu
from jax.experimental.pallas import tpu_sc as plsc

_N = 8 * 512 * 512
_K = _N // 4
_R = 16384
_C = 128
_CHUNK = 1024
_NCH = _R // _CHUNK

_NTEC = 32
_BLKR = 128
_GRID = _R // _BLKR
_S1 = 18
_H1 = 8192
_S2 = 3
_H2 = 32768

_sc_mesh = plsc.VectorSubcoreMesh(core_axis_name="c", subcore_axis_name="s")


def _sc_params():
    cp = pltpu.CompilerParams()
    if "needs_layout_passes" in pltpu.CompilerParams.__dataclass_fields__:
        cp = dataclasses.replace(cp, needs_layout_passes=False)
    if "use_tc_tiling_on_sc" in pltpu.CompilerParams.__dataclass_fields__:
        cp = dataclasses.replace(cp, use_tc_tiling_on_sc=True)
    return cp


def _loss_bits_body(x_ref, y_ref, o_ref):
    def chunk(i, carry):
        sl = pl.ds(i * _CHUNK, _CHUNK)
        x = x_ref[sl, :]
        y = y_ref[sl, :].astype(jnp.float32)
        loss = jnp.maximum(x, 0.0) - x * y + jnp.log1p(jnp.exp(-jnp.abs(x)))
        o_ref[sl, :] = lax.bitcast_convert_type(loss, jnp.int32)
        return carry

    lax.fori_loop(0, _NCH, chunk, 0)


def _sc_hist1(bits2d):
    @functools.partial(
        pl.kernel,
        out_type=[
            jax.ShapeDtypeStruct((_NTEC * _H1,), jnp.int32),
            jax.ShapeDtypeStruct((_R, _C), jnp.int32),
        ],
        mesh=_sc_mesh,
        compiler_params=_sc_params(),
        scratch_types=[pltpu.VMEM((_H1,), jnp.int32)],
    )
    def k(bits_hbm, out_hbm, passthru_hbm, hist_v):
        wid = lax.axis_index("s") * 2 + lax.axis_index("c")

        @plsc.parallel_loop(0, _H1, step=16, unroll=8)
        def _(i):
            hist_v[pl.ds(i, 16)] = jnp.zeros((16,), jnp.int32)

        ones = jnp.ones((16,), jnp.int32)

        def body(in_v, out_v):
            @plsc.parallel_loop(0, _BLKR, step=1, unroll=2)
            def _(r):
                for g in range(8):
                    v = in_v[r, pl.ds(g * 16, 16)]
                    plsc.addupdate_scatter(hist_v, [v >> _S1], ones)
                    out_v[r, pl.ds(g * 16, 16)] = v

        pltpu.emit_pipeline(
            body,
            grid=(_GRID,),
            in_specs=[pl.BlockSpec((_BLKR, 128), lambda i: (i, 0))],
            out_specs=[pl.BlockSpec((_BLKR, 128), lambda i: (i, 0))],
            core_axis_name=("c", "s"),
            dimension_semantics=(pltpu.PARALLEL,),
        )(bits_hbm, passthru_hbm)
        pltpu.sync_copy(hist_v, out_hbm.at[pl.ds(wid * _H1, _H1)])

    return k(bits2d)


def _find_bucket1_body(h_ref, o_ref, ovec_ref):
    def merge(t, acc):
        return acc + h_ref[pl.ds(t * (_H1 // 128), _H1 // 128), :]

    cnt = lax.fori_loop(
        0, _NTEC, merge, jnp.zeros((_H1 // 128, 128), jnp.int32)
    )
    bidx = (
        lax.broadcasted_iota(jnp.int32, (_H1 // 128, 128), 0) * 128
        + lax.broadcasted_iota(jnp.int32, (_H1 // 128, 128), 1)
    )

    def count_gt(b):
        return jnp.sum(jnp.where(bidx > b, cnt, 0))

    def bisect(_, carry):
        lo, hi, c_hi = carry
        mid = lo + (hi - lo) // 2
        c = count_gt(mid)
        pred = c >= _K
        return (
            jnp.where(pred, mid, lo),
            jnp.where(pred, hi, mid),
            jnp.where(pred, c_hi, c),
        )

    lo, hi, c_hi = lax.fori_loop(
        0, 14, bisect, (jnp.int32(-1), jnp.int32(_H1), jnp.int32(0))
    )
    o_ref[0, 0] = hi
    o_ref[0, 1] = c_hi
    for i in range(16):
        ovec_ref[i] = hi


def _sc_hist2(bits2d, hstar16):
    @functools.partial(
        pl.kernel,
        out_type=jax.ShapeDtypeStruct((_NTEC * _H2,), jnp.int32),
        mesh=_sc_mesh,
        compiler_params=_sc_params(),
        scratch_types=[
            pltpu.VMEM((_H2,), jnp.int32),
            pltpu.VMEM((16,), jnp.int32),
        ],
    )
    def k(bits_hbm, h_hbm, out_hbm, hist_v, h_v):
        wid = lax.axis_index("s") * 2 + lax.axis_index("c")
        pltpu.sync_copy(h_hbm, h_v)

        @plsc.parallel_loop(0, _H2, step=16, unroll=8)
        def _(i):
            hist_v[pl.ds(i, 16)] = jnp.zeros((16,), jnp.int32)

        ones = jnp.ones((16,), jnp.int32)
        hstar = h_v[...]

        def body(in_v):
            @plsc.parallel_loop(0, _BLKR, step=1, unroll=2)
            def _(r):
                for g in range(8):
                    v = in_v[r, pl.ds(g * 16, 16)]
                    m = (v >> _S1) == hstar
                    plsc.addupdate_scatter(
                        hist_v, [(v >> _S2) & (_H2 - 1)], ones, mask=m
                    )

        pltpu.emit_pipeline(
            body,
            grid=(_GRID,),
            in_specs=[pl.BlockSpec((_BLKR, 128), lambda i: (i, 0))],
            out_specs=[],
            core_axis_name=("c", "s"),
            dimension_semantics=(pltpu.PARALLEL,),
        )(bits_hbm)
        pltpu.sync_copy(hist_v, out_hbm.at[pl.ds(wid * _H2, _H2)])

    return k(bits2d, hstar16)


def _finalize_body(h2_ref, bits_ref, hc_ref, o_ref):
    hstar = hc_ref[0, 0]
    c1 = hc_ref[0, 1]

    def merge(t, acc):
        return acc + h2_ref[pl.ds(t * (_H2 // 128), _H2 // 128), :]

    cnt = lax.fori_loop(
        0, _NTEC, merge, jnp.zeros((_H2 // 128, 128), jnp.int32)
    )
    bidx = (
        lax.broadcasted_iota(jnp.int32, (_H2 // 128, 128), 0) * 128
        + lax.broadcasted_iota(jnp.int32, (_H2 // 128, 128), 1)
    )

    def count_gt(b):
        return jnp.sum(jnp.where(bidx > b, cnt, 0))

    k_rem = _K - c1

    def bisect(_, carry):
        lo, hi, c_hi = carry
        mid = lo + (hi - lo) // 2
        c = count_gt(mid)
        pred = c >= k_rem
        return (
            jnp.where(pred, mid, lo),
            jnp.where(pred, hi, mid),
            jnp.where(pred, c_hi, c),
        )

    lo, hi, c2 = lax.fori_loop(
        0, 16, bisect, (jnp.int32(-1), jnp.int32(_H2), jnp.int32(0))
    )

    t_lo = (hstar << _S1) | (hi << _S2)
    t_up = t_lo | ((1 << _S2) - 1)
    t_val = lax.bitcast_convert_type(t_lo, jnp.float32)

    def sum_gt(i, acc):
        b = bits_ref[pl.ds(i * _CHUNK, _CHUNK), :]
        v = lax.bitcast_convert_type(b, jnp.float32)
        return acc + jnp.sum(jnp.where(b > t_up, v, 0.0))

    s = lax.fori_loop(0, _NCH, sum_gt, jnp.float32(0.0))

    mean = (s + (_K - c1 - c2).astype(jnp.float32) * t_val) / jnp.float32(_K)
    o_ref[0, 0] = mean


def kernel(logits, labels):
    x = logits.reshape(_R, _C)
    y = labels.reshape(_R, _C)

    bits = pl.pallas_call(
        _loss_bits_body,
        out_shape=jax.ShapeDtypeStruct((_R, _C), jnp.int32),
    )(x, y)

    hist1, bits_sc = _sc_hist1(bits)

    hc, hvec = pl.pallas_call(
        _find_bucket1_body,
        out_shape=[
            jax.ShapeDtypeStruct((1, 2), jnp.int32),
            jax.ShapeDtypeStruct((16,), jnp.int32),
        ],
        out_specs=[
            pl.BlockSpec(memory_space=pltpu.SMEM),
            pl.BlockSpec(memory_space=pltpu.SMEM),
        ],
    )(hist1.reshape(_NTEC * _H1 // 128, 128))

    hist2 = _sc_hist2(bits_sc, hvec)

    out = pl.pallas_call(
        _finalize_body,
        out_shape=jax.ShapeDtypeStruct((1, 1), jnp.float32),
        in_specs=[
            pl.BlockSpec(memory_space=pltpu.VMEM),
            pl.BlockSpec(memory_space=pltpu.VMEM),
            pl.BlockSpec(memory_space=pltpu.SMEM),
        ],
        out_specs=pl.BlockSpec(memory_space=pltpu.SMEM),
    )(hist2.reshape(_NTEC * _H2 // 128, 128), bits, hc)

    return out[0, 0]

# --- scband reference (transcript-rebuilt; emitter-appended) ---
"""Pipeline reference for scband-deep-lab-bce-66477503807959 (READ-ONLY COPY).

The authoritative reference and input builder live on the scoring server;
editing this copy changes nothing except your own understanding.
"""

import jax, jax.numpy as jnp
import numpy as np

TOPK_PCT = 0.25

def setup_inputs(seed: int = 0) -> dict:
    key = jax.random.key(seed)
    k1, k2 = jax.random.split(key)
    logits = jax.random.normal(k1, (8, 1, 512, 512), dtype=jnp.float32)
    labels = jax.random.randint(k2, (8, 512, 512), 0, 2, dtype=jnp.int32)
    return {"logits": logits, "labels": labels}

def reference(logits, labels):
    # logits.squeeze(1)
    x = jnp.squeeze(logits, axis=1)
    y = labels.astype(jnp.float32)
    # BCEWithLogitsLoss(reduction='none'): numerically stable formulation
    pixel_losses = jnp.maximum(x, 0.0) - x * y + jnp.log1p(jnp.exp(-jnp.abs(x)))
    pixel_losses = pixel_losses.reshape(-1)
    top_k_pixels = int(TOPK_PCT * pixel_losses.shape[0])
    top_vals, _ = jax.lax.top_k(pixel_losses, top_k_pixels)
    return jnp.mean(top_vals)

if __name__ == "__main__":
    import jax
    _d = setup_inputs()
    print(jax.jit(kernel)(*tuple(_d.values())))

</pallas_src>

<mosaic_0001>
#map = affine_map<(d0, d1) -> (0, 0)>
#map1 = affine_map<(d0, d1) -> (0)>
module attributes {stable_mosaic.version = 14 : i64} {
  func.func @k(%arg0: i32, %arg1: i32, %arg2: memref<16384x128xi32, #tpu.memory_space<hbm>>, %arg3: memref<262144xi32, #tpu.memory_space<hbm>>, %arg4: memref<16384x128xi32, #tpu.memory_space<hbm>>, %arg5: memref<8192xi32, #tpu.memory_space<vmem>>) attributes {dimension_semantics = [#tpu.dimension_semantics<core_parallel>, #tpu.dimension_semantics<subcore_parallel>], iteration_bounds = array<i64: 2, 16>, scalar_prefetch = 0 : i64, scratch_operands = 1 : i64, tpu.core_type = #tpu.core_type<sc_vector_subcore>, window_params = [{transform_indices = #map}, {transform_indices = #map1}, {transform_indices = #map}]} {
    %mul3A = arith.constant 2 : i32
    %mul3A_0 = arith.muli %arg1, %mul3A : i32
    %add3A = arith.addi %mul3A_0, %arg0 : i32
    %parallel_loop3A = arith.constant 0 : i32
    %parallel_loop3A_1 = arith.constant 8192 : i32
    %parallel_loop3A_2 = arith.constant 16 : i32
    scf.for %parallel_loop3A_15 = %parallel_loop3A to %parallel_loop3A_1 step %parallel_loop3A_2  : i32 {
      %parallel_loop3A_16 = arith.constant 0 : i32
      %parallel_loop3A_17 = vector.broadcast %parallel_loop3A_16 : i32 to vector<16xi32>
      %parallel_loop3A_18 = arith.index_cast %parallel_loop3A_15 : i32 to index
      %parallel_loop3A_19 = tpu.vector_load %arg5[%parallel_loop3A_18] {strides = array<i32>} : memref<8192xi32, #tpu.memory_space<vmem>>, vector<16xi32>,
      tpu.vector_store %arg5[%parallel_loop3A_18], %parallel_loop3A_17 {strides = array<i32>} : memref<8192xi32, #tpu.memory_space<vmem>>, vector<16xi32>,
    } {sc.loop_unroll_factor = 8 : i64, sc.parallel_access}
    %broadcast_in_dim3A = arith.constant 1 : i32
    %broadcast_in_dim3A_3 = vector.broadcast %broadcast_in_dim3A : i32 to vector<16xi32>
    %mul3A_4 = arith.constant 1 : i32
    %mul3A_5 = arith.muli %arg1, %mul3A_4 : i32
    %add3A_6 = arith.constant 0 : i32
    %add3A_7 = arith.addi %add3A_6, %mul3A_5 : i32
    %mul3A_8 = arith.constant 16 : i32
    %mul3A_9 = arith.muli %arg0, %mul3A_8 : i32
    %add3A_10 = arith.addi %add3A_7, %mul3A_9 : i32
    %mul3A_11 = arith.constant 4 : i32
    %mul3A_12 = arith.muli %add3A_10, %mul3A_11 : i32
    "tpu.region"() ({
      %run_scoped3A = memref.alloca() : memref<2x128x128xi32, #tpu.memory_space<vmem>>
      %run_scoped3A_15 = tpu.sem_alloc : memref<2x!tpu.dma_semaphore, #tpu.memory_space<semaphore_mem>>
      %run_scoped3A_16 = memref.alloca() : memref<2x128x128xi32, #tpu.memory_space<vmem>>
      %run_scoped3A_17 = tpu.sem_alloc : memref<2x!tpu.dma_semaphore, #tpu.memory_space<semaphore_mem>>
      %add3A_18 = arith.constant 0 : i32
      %add3A_19 = arith.addi %add3A_18, %mul3A_12 : i32
      %select_n3A = arith.constant true
      %select_n3A_20 = arith.constant 0 : i32
      %select_n3A_21 = arith.constant -1 : i32
      %select_n3A_22 = arith.select %select_n3A, %select_n3A_21, %select_n3A_20 : i32
      %eq3A = arith.constant -1 : i32
      %eq3A_23 = arith.cmpi eq, %select_n3A_22, %eq3A : i32
      %select_n3A_24 = arith.constant 3 : i32
      %select_n3A_25 = arith.select %eq3A_23, %select_n3A_24, %select_n3A_22 : i32
      %add3A_26 = arith.addi %select_n3A_25, %mul3A_12 : i32
      %select_n3A_27 = arith.constant true
      %select_n3A_28 = arith.constant 0 : i32
      %select_n3A_29 = arith.constant 1 : i32
      %select_n3A_30 = arith.select %select_n3A_27, %select_n3A_29, %select_n3A_28 : i32
      %eq3A_31 = arith.constant 4 : i32
      %eq3A_32 = arith.cmpi eq, %select_n3A_30, %eq3A_31 : i32
      %select_n3A_33 = arith.constant 0 : i32
      %select_n3A_34 = arith.select %eq3A_32, %select_n3A_33, %select_n3A_30 : i32
      %add3A_35 = arith.addi %select_n3A_34, %mul3A_12 : i32
      %add3A_36 = arith.constant 1 : i32
      %add3A_37 = arith.addi %select_n3A_34, %add3A_36 : i32
      %select_n3A_38 = arith.constant true
      %select_n3A_39 = arith.select %select_n3A_38, %add3A_37, %select_n3A_34 : i32
      %eq3A_40 = arith.constant 4 : i32
      %eq3A_41 = arith.cmpi eq, %select_n3A_39, %eq3A_40 : i32
      %select_n3A_42 = arith.constant 0 : i32
      %select_n3A_43 = arith.select %eq3A_41, %select_n3A_42, %select_n3A_39 : i32
      %add3A_44 = arith.addi %select_n3A_43, %mul3A_12 : i32
      "tpu.trace_start"() <{level = 10 : i32, message = "ep_initialize_0"}> : () -> ()
      %rem3A = arith.constant 0 : i32
      %rem3A_45 = arith.constant 2 : i32
      %rem3A_46 = arith.remui %rem3A, %rem3A_45 : i32
      %mul3A_47 = arith.constant 128 : i32
      %mul3A_48 = arith.muli %mul3A_47, %add3A_19 : i32
      %dma_start3A = arith.constant 0 : i32
      %dma_start3A_49 = arith.constant 0 : i32
      %dma_start3A_50 = tpu.memref_slice %run_scoped3A[%rem3A_46, %dma_start3A, %dma_start3A_49] : memref<2x128x128xi32, #tpu.memory_space<vmem>> -> memref<1x128x128xi32, #tpu.memory_space<vmem>>
      %dma_start3A_51 = tpu.memref_squeeze %dma_start3A_50 : memref<1x128x128xi32, #tpu.memory_space<vmem>> -> memref<128x128xi32, #tpu.memory_space<vmem>>
      %dma_start3A_52 = arith.constant 0 : i32
      %dma_start3A_53 = tpu.memref_slice %arg2[%mul3A_48, %dma_start3A_52] : memref<16384x128xi32, #tpu.memory_space<hbm>> -> memref<128x128xi32, #tpu.memory_space<hbm>>
      %dma_start3A_54 = tpu.memref_slice %run_scoped3A_15[%rem3A_46] : memref<2x!tpu.dma_semaphore, #tpu.memory_space<semaphore_mem>> -> memref<1x!tpu.dma_semaphore, #tpu.memory_space<semaphore_mem>>
      %dma_start3A_55 = tpu.memref_squeeze %dma_start3A_54 : memref<1x!tpu.dma_semaphore, #tpu.memory_space<semaphore_mem>> -> memref<!tpu.dma_semaphore, #tpu.memory_space<semaphore_mem>>
      %dma_start3A_56 = arith.constant 0 : i32
      %dma_start3A_57 = arith.constant 0 : i32
      %dma_start3A_58 = tpu.memref_slice %run_scoped3A[%rem3A_46, %dma_start3A_56, %dma_start3A_57] : memref<2x128x128xi32, #tpu.memory_space<vmem>> -> memref<1x128x128xi32, #tpu.memory_space<vmem>>
      %dma_start3A_59 = tpu.memref_squeeze %dma_start3A_58 : memref<1x128x128xi32, #tpu.memory_space<vmem>> -> memref<128x128xi32, #tpu.memory_space<vmem>>
      %dma_start3A_60 = arith.constant 0 : i32
      %dma_start3A_61 = tpu.memref_slice %arg2[%mul3A_48, %dma_start3A_60] : memref<16384x128xi32, #tpu.memory_space<hbm>> -> memref<128x128xi32, #tpu.memory_space<hbm>>
      tpu.enqueue_dma source(%dma_start3A_61 : memref<128x128xi32, #tpu.memory_space<hbm>>) target(%dma_start3A_59 : memref<128x128xi32, #tpu.memory_space<vmem>>) target_semaphore(%dma_start3A_55 : memref<!tpu.dma_semaphore, #tpu.memory_space<semaphore_mem>>)
      %add3A_62 = arith.constant 0 : i32
      %add3A_63 = arith.constant 1 : i32
      %add3A_64 = arith.addi %add3A_62, %add3A_63 : i32
      %select_n3A_65 = arith.constant true
      %select_n3A_66 = arith.constant 0 : i32
      %select_n3A_67 = arith.select %select_n3A_65, %add3A_64, %select_n3A_66 : i32
      "tpu.trace_stop"() : () -> ()
      %scan3A = arith.constant 0 : i32
      %scan3A_68 = arith.constant 0 : i32
      %scan3A_69 = arith.constant 0 : i32
      %scan3A_70 = arith.constant 0 : i32
      %scan3A_71 = arith.constant 0 : i32
      %scan3A_72 = arith.constant 4 : i32
      %scan3A_73 = arith.addi %scan3A_71, %scan3A_72 : i32
      %scan3A_74 = arith.constant 1 : i32
      %scan3A_75:5 = scf.for %scan3A_129 = %scan3A_71 to %scan3A_73 step %scan3A_74 iter_args(%scan3A_130 = %select_n3A_67, %scan3A_131 = %scan3A, %scan3A_132 = %scan3A_68, %scan3A_133 = %scan3A_69, %scan3A_134 = %scan3A_70) -> (i32, i32, i32, i32, i32)  : i32 {
        %eq3A_135 = arith.constant 0 : i32
        %eq3A_136 = arith.cmpi eq, %scan3A_129, %eq3A_135 : i32
        %eq3A_137 = arith.constant 3 : i32
        %eq3A_138 = arith.cmpi eq, %scan3A_129, %eq3A_137 : i32
        %add3A_139 = arith.addi %scan3A_134, %mul3A_12 : i32
        %sub3A_140 = arith.constant 1 : i32
        %sub3A_141 = arith.subi %scan3A_134, %sub3A_140 : i32
        %select_n3A_142 = arith.constant true
        %select_n3A_143 = arith.select %select_n3A_142, %sub3A_141, %scan3A_134 : i32
        %eq3A_144 = arith.constant -1 : i32
        %eq3A_145 = arith.cmpi eq, %select_n3A_143, %eq3A_144 : i32
        %select_n3A_146 = arith.constant 3 : i32
        %select_n3A_147 = arith.select %eq3A_145, %select_n3A_146, %select_n3A_143 : i32
        %add3A_148 = arith.addi %select_n3A_147, %mul3A_12 : i32
        %add3A_149 = arith.constant 1 : i32
        %add3A_150 = arith.addi %scan3A_134, %add3A_149 : i32
        %select_n3A_151 = arith.constant true
        %select_n3A_152 = arith.select %select_n3A_151, %add3A_150, %scan3A_134 : i32
        %eq3A_153 = arith.constant 4 : i32
        %eq3A_154 = arith.cmpi eq, %select_n3A_152, %eq3A_153 : i32
        %select_n3A_155 = arith.constant 0 : i32
        %select_n3A_156 = arith.select %eq3A_154, %select_n3A_155, %select_n3A_152 : i32
        %add3A_157 = arith.addi %select_n3A_156, %mul3A_12 : i32
        %add3A_158 = arith.constant 1 : i32
        %add3A_159 = arith.addi %select_n3A_156, %add3A_158 : i32
        %select_n3A_160 = arith.constant true
        %select_n3A_161 = arith.select %select_n3A_160, %add3A_159, %select_n3A_156 : i32
        %eq3A_162 = arith.constant 4 : i32
        %eq3A_163 = arith.cmpi eq, %select_n3A_161, %eq3A_162 : i32
        %select_n3A_164 = arith.constant 0 : i32
        %select_n3A_165 = arith.select %eq3A_163, %select_n3A_164, %select_n3A_161 : i32
        %add3A_166 = arith.addi %select_n3A_165, %mul3A_12 : i32
        %ne3A = arith.cmpi ne, %add3A_139, %add3A_157 : i32
        %or3A = arith.constant false
        %or3A_167 = arith.ori %or3A, %ne3A : i1
        %or3A_168 = arith.constant false
        %or3A_169 = arith.ori %or3A_167, %or3A_168 : i1
        %ge3A = arith.constant 3 : i32
        %ge3A_170 = arith.cmpi sge, %scan3A_129, %ge3A : i32
        %not3A = arith.constant true
        %not3A_171 = arith.xori %ge3A_170, %not3A : i1
        %and3A = arith.andi %or3A_169, %not3A_171 : i1
        %convert_element_type3A = arith.extui %and3A : i1 to i32
        %cond3A = arith.constant 0 : i32
        %cond3A_172 = arith.cmpi ne, %convert_element_type3A, %cond3A : i32
        scf.if %cond3A_172 {
          "tpu.trace_start"() <{level = 10 : i32, message = "ep_copy_in"}> : () -> ()
          %rem3A_284 = arith.constant 2 : i32
          %rem3A_285 = arith.remui %scan3A_130, %rem3A_284 : i32
          %mul3A_286 = arith.constant 128 : i32
          %mul3A_287 = arith.muli %mul3A_286, %add3A_157 : i32
          %dma_start3A_288 = arith.constant 0 : i32
          %dma_start3A_289 = arith.constant 0 : i32
          %dma_start3A_290 = tpu.memref_slice %run_scoped3A[%rem3A_285, %dma_start3A_288, %dma_start3A_289] : memref<2x128x128xi32, #tpu.memory_space<vmem>> -> memref<1x128x128xi32, #tpu.memory_space<vmem>>
          %dma_start3A_291 = tpu.memref_squeeze %dma_start3A_290 : memref<1x128x128xi32, #tpu.memory_space<vmem>> -> memref<128x128xi32, #tpu.memory_space<vmem>>
          %dma_start3A_292 = arith.constant 0 : i32
          %dma_start3A_293 = tpu.memref_slice %arg2[%mul3A_287, %dma_start3A_292] : memref<16384x128xi32, #tpu.memory_space<hbm>> -> memref<128x128xi32, #tpu.memory_space<hbm>>
          %dma_start3A_294 = tpu.memref_slice %run_scoped3A_15[%rem3A_285] : memref<2x!tpu.dma_semaphore, #tpu.memory_space<semaphore_mem>> -> memref<1x!tpu.dma_semaphore, #tpu.memory_space<semaphore_mem>>
          %dma_start3A_295 = tpu.memref_squeeze %dma_start3A_294 : memref<1x!tpu.dma_semaphore, #tpu.memory_space<semaphore_mem>> -> memref<!tpu.dma_semaphore, #tpu.memory_space<semaphore_mem>>
          %dma_start3A_296 = arith.constant 0 : i32
          %dma_start3A_297 = arith.constant 0 : i32
          %dma_start3A_298 = tpu.memref_slice %run_scoped3A[%rem3A_285, %dma_start3A_296, %dma_start3A_297] : memref<2x128x128xi32, #tpu.memory_space<vmem>> -> memref<1x128x128xi32, #tpu.memory_space<vmem>>
          %dma_start3A_299 = tpu.memref_squeeze %dma_start3A_298 : memref<1x128x128xi32, #tpu.memory_space<vmem>> -> memref<128x128xi32, #tpu.memory_space<vmem>>
          %dma_start3A_300 = arith.constant 0 : i32
          %dma_start3A_301 = tpu.memref_slice %arg2[%mul3A_287, %dma_start3A_300] : memref<16384x128xi32, #tpu.memory_space<hbm>> -> memref<128x128xi32, #tpu.memory_space<hbm>>
          tpu.enqueue_dma source(%dma_start3A_301 : memref<128x128xi32, #tpu.memory_space<hbm>>) target(%dma_start3A_299 : memref<128x128xi32, #tpu.memory_space<vmem>>) target_semaphore(%dma_start3A_295 : memref<!tpu.dma_semaphore, #tpu.memory_space<semaphore_mem>>)
          "tpu.trace_stop"() : () -> ()
        } else {
        }
        %and3A_173 = arith.constant true
        %and3A_174 = arith.andi %and3A, %and3A_173 : i1
        %add3A_175 = arith.constant 1 : i32
        %add3A_176 = arith.addi %scan3A_130, %add3A_175 : i32
        %select_n3A_177 = arith.select %and3A_174, %add3A_176, %scan3A_130 : i32
        %ne3A_178 = arith.cmpi ne, %add3A_139, %add3A_157 : i32
        %or3A_179 = arith.constant false
        %or3A_180 = arith.ori %or3A_179, %ne3A_178 : i1
        %or3A_181 = arith.constant false
        %or3A_182 = arith.ori %or3A_180, %or3A_181 : i1
        %ge3A_183 = arith.constant 3 : i32
        %ge3A_184 = arith.cmpi sge, %scan3A_129, %ge3A_183 : i32
        %not3A_185 = arith.constant true
        %not3A_186 = arith.xori %ge3A_184, %not3A_185 : i1
        %and3A_187 = arith.andi %or3A_182, %not3A_186 : i1
        %ne3A_188 = arith.cmpi ne, %add3A_139, %add3A_148 : i32
        %or3A_189 = arith.constant false
        %or3A_190 = arith.ori %or3A_189, %ne3A_188 : i1
        %or3A_191 = arith.constant false
        %or3A_192 = arith.ori %or3A_190, %or3A_191 : i1
        %or3A_193 = arith.ori %or3A_192, %eq3A_136 : i1
        %convert_element_type3A_194 = arith.extui %or3A_193 : i1 to i32
        %cond3A_195 = arith.constant 0 : i32
        %cond3A_196 = arith.cmpi ne, %convert_element_type3A_194, %cond3A_195 : i32
        scf.if %cond3A_196 {
          "tpu.trace_start"() <{level = 10 : i32, message = "ep_wait_in"}> : () -> ()
          %mul3A_284 = arith.constant 128 : i32
          %mul3A_285 = arith.muli %mul3A_284, %add3A_139 : i32
          %rem3A_286 = arith.constant 2 : i32
          %rem3A_287 = arith.remui %scan3A_131, %rem3A_286 : i32
          %dma_wait3A_288 = arith.constant 0 : i32
          %dma_wait3A_289 = arith.constant 0 : i32
          %dma_wait3A_290 = tpu.memref_slice %run_scoped3A[%rem3A_287, %dma_wait3A_288, %dma_wait3A_289] : memref<2x128x128xi32, #tpu.memory_space<vmem>> -> memref<1x128x128xi32, #tpu.memory_space<vmem>>
          %dma_wait3A_291 = tpu.memref_squeeze %dma_wait3A_290 : memref<1x128x128xi32, #tpu.memory_space<vmem>> -> memref<128x128xi32, #tpu.memory_space<vmem>>
          %dma_wait3A_292 = arith.constant 0 : i32
          %dma_wait3A_293 = tpu.memref_slice %arg2[%mul3A_285, %dma_wait3A_292] : memref<16384x128xi32, #tpu.memory_space<hbm>> -> memref<128x128xi32, #tpu.memory_space<hbm>>
          %dma_wait3A_294 = tpu.memref_slice %run_scoped3A_15[%rem3A_287] : memref<2x!tpu.dma_semaphore, #tpu.memory_space<semaphore_mem>> -> memref<1x!tpu.dma_semaphore, #tpu.memory_space<semaphore_mem>>
          %dma_wait3A_295 = tpu.memref_squeeze %dma_wait3A_294 : memref<1x!tpu.dma_semaphore, #tpu.memory_space<semaphore_mem>> -> memref<!tpu.dma_semaphore, #tpu.memory_space<semaphore_mem>>
          %dma_wait3A_296 = arith.constant 0 : i32
          %dma_wait3A_297 = arith.constant 0 : i32
          %dma_wait3A_298 = tpu.memref_slice %run_scoped3A[%rem3A_287, %dma_wait3A_296, %dma_wait3A_297] : memref<2x128x128xi32, #tpu.memory_space<vmem>> -> memref<1x128x128xi32, #tpu.memory_space<vmem>>
          %dma_wait3A_299 = tpu.memref_squeeze %dma_wait3A_298 : memref<1x128x128xi32, #tpu.memory_space<vmem>> -> memref<128x128xi32, #tpu.memory_space<vmem>>
          %dma_wait3A_300 = arith.constant 0 : i32
          %dma_wait3A_301 = tpu.memref_slice %arg2[%mul3A_285, %dma_wait3A_300] : memref<16384x128xi32, #tpu.memory_space<hbm>> -> memref<128x128xi32, #tpu.memory_space<hbm>>
          tpu.wait_dma2 semaphore(%dma_wait3A_295 : memref<!tpu.dma_semaphore, #tpu.memory_space<semaphore_mem>>) src(%dma_wait3A_301 : memref<128x128xi32, #tpu.memory_space<hbm>>) dst(%dma_wait3A_299 : memref<128x128xi32, #tpu.memory_space<vmem>>)
          "tpu.trace_stop"() : () -> ()
        } else {
        }
        %ne3A_197 = arith.cmpi ne, %add3A_139, %add3A_148 : i32
        %or3A_198 = arith.constant false
        %or3A_199 = arith.ori %or3A_198, %ne3A_197 : i1
        %or3A_200 = arith.constant false
        %or3A_201 = arith.ori %or3A_199, %or3A_200 : i1
        %or3A_202 = arith.ori %or3A_201, %eq3A_136 : i1
        %convert_element_type3A_203 = arith.extui %or3A_202 : i1 to i32
        %cond3A_204 = arith.constant 0 : i32
        %cond3A_205 = arith.cmpi ne, %convert_element_type3A_203, %cond3A_204 : i32
        scf.if %cond3A_205 {
        } else {
        }
        %rem3A_206 = arith.constant 2 : i32
        %rem3A_207 = arith.remui %scan3A_131, %rem3A_206 : i32
        %rem3A_208 = arith.constant 2 : i32
        %rem3A_209 = arith.remui %scan3A_132, %rem3A_208 : i32
        %parallel_loop3A_210 = arith.constant 0 : i32
        %parallel_loop3A_211 = arith.constant 128 : i32
        %parallel_loop3A_212 = arith.constant 1 : i32
        "tpu.trace_start"() <{level = 10 : i32, message = "ep_run_kernel"}> : () -> ()
        scf.for %parallel_loop3A_284 = %parallel_loop3A_210 to %parallel_loop3A_211 step %parallel_loop3A_212  : i32 {
          %parallel_loop3A_285 = arith.constant 0 : i32
          %parallel_loop3A_286 = arith.constant 0 : i32
          %parallel_loop3A_287 = tpu.memref_slice %run_scoped3A[%rem3A_207, %parallel_loop3A_285, %parallel_loop3A_286] : memref<2x128x128xi32, #tpu.memory_space<vmem>> -> memref<1x128x128xi32, #tpu.memory_space<vmem>>
          %parallel_loop3A_288 = tpu.memref_squeeze %parallel_loop3A_287 : memref<1x128x128xi32, #tpu.memory_space<vmem>> -> memref<128x128xi32, #tpu.memory_space<vmem>>
          %parallel_loop3A_289 = arith.index_cast %parallel_loop3A_284 : i32 to index
          %parallel_loop3A_290 = arith.constant 0 : index
          %parallel_loop3A_291 = tpu.vector_load %parallel_loop3A_288[%parallel_loop3A_289, %parallel_loop3A_290] {strides = array<i32>} : memref<128x128xi32, #tpu.memory_space<vmem>>, vector<16xi32>,
          %parallel_loop3A_292 = arith.constant 18 : i32
          %parallel_loop3A_293 = vector.broadcast %parallel_loop3A_292 : i32 to vector<16xi32>
          %parallel_loop3A_294 = arith.shrsi %parallel_loop3A_291, %parallel_loop3A_293 : vector<16xi32>
          tpu.vector_store_idx %arg5[%parallel_loop3A_294], %broadcast_in_dim3A_3 {add = true} : memref<8192xi32, #tpu.memory_space<vmem>>[vector<16xi32>], vector<16xi32>,
          %parallel_loop3A_295 = arith.constant 0 : i32
          %parallel_loop3A_296 = arith.constant 0 : i32
          %parallel_loop3A_297 = tpu.memref_slice %run_scoped3A_16[%rem3A_209, %parallel_loop3A_295, %parallel_loop3A_296] : memref<2x128x128xi32, #tpu.memory_space<vmem>> -> memref<1x128x128xi32, #tpu.memory_space<vmem>>
          %parallel_loop3A_298 = tpu.memref_squeeze %parallel_loop3A_297 : memref<1x128x128xi32, #tpu.memory_space<vmem>> -> memref<128x128xi32, #tpu.memory_space<vmem>>
          %parallel_loop3A_299 = arith.index_cast %parallel_loop3A_284 : i32 to index
          %parallel_loop3A_300 = arith.constant 0 : index
          %parallel_loop3A_301 = tpu.vector_load %parallel_loop3A_298[%parallel_loop3A_299, %parallel_loop3A_300] {strides = array<i32>} : memref<128x128xi32, #tpu.memory_space<vmem>>, vector<16xi32>,
          tpu.vector_store %parallel_loop3A_298[%parallel_loop3A_299, %parallel_loop3A_300], %parallel_loop3A_291 {strides = array<i32>} : memref<128x128xi32, #tpu.memory_space<vmem>>, vector<16xi32>,
          %parallel_loop3A_302 = arith.constant 0 : i32
          %parallel_loop3A_303 = arith.constant 0 : i32
          %parallel_loop3A_304 = tpu.memref_slice %run_scoped3A[%rem3A_207, %parallel_loop3A_302, %parallel_loop3A_303] : memref<2x128x128xi32, #tpu.memory_space<vmem>> -> memref<1x128x128xi32, #tpu.memory_space<vmem>>
          %parallel_loop3A_305 = tpu.memref_squeeze %parallel_loop3A_304 : memref<1x128x128xi32, #tpu.memory_space<vmem>> -> memref<128x128xi32, #tpu.memory_space<vmem>>
          %parallel_loop3A_306 = arith.index_cast %parallel_loop3A_284 : i32 to index
          %parallel_loop3A_307 = arith.constant 16 : index
          %parallel_loop3A_308 = tpu.vector_load %parallel_loop3A_305[%parallel_loop3A_306, %parallel_loop3A_307] {strides = array<i32>} : memref<128x128xi32, #tpu.memory_space<vmem>>, vector<16xi32>,
          %parallel_loop3A_309 = arith.constant 18 : i32
          %parallel_loop3A_310 = vector.broadcast %parallel_loop3A_309 : i32 to vector<16xi32>
          %parallel_loop3A_311 = arith.shrsi %parallel_loop3A_308, %parallel_loop3A_310 : vector<16xi32>
          tpu.vector_store_idx %arg5[%parallel_loop3A_311], %broadcast_in_dim3A_3 {add = true} : memref<8192xi32, #tpu.memory_space<vmem>>[vector<16xi32>], vector<16xi32>,
          %parallel_loop3A_312 = arith.constant 0 : i32
          %parallel_loop3A_313 = arith.constant 0 : i32
          %parallel_loop3A_314 = tpu.memref_slice %run_scoped3A_16[%rem3A_209, %parallel_loop3A_312, %parallel_loop3A_313] : memref<2x128x128xi32, #tpu.memory_space<vmem>> -> memref<1x128x128xi32, #tpu.memory_space<vmem>>
          %parallel_loop3A_315 = tpu.memref_squeeze %parallel_loop3A_314 : memref<1x128x128xi32, #tpu.memory_space<vmem>> -> memref<128x128xi32, #tpu.memory_space<vmem>>
          %parallel_loop3A_316 = arith.index_cast %parallel_loop3A_284 : i32 to index
          %parallel_loop3A_317 = arith.constant 16 : index
          %parallel_loop3A_318 = tpu.vector_load %parallel_loop3A_315[%parallel_loop3A_316, %parallel_loop3A_317] {strides = array<i32>} : memref<128x128xi32, #tpu.memory_space<vmem>>, vector<16xi32>,
          tpu.vector_store %parallel_loop3A_315[%parallel_loop3A_316, %parallel_loop3A_317], %parallel_loop3A_308 {strides = array<i32>} : memref<128x128xi32, #tpu.memory_space<vmem>>, vector<16xi32>,
          %parallel_loop3A_319 = arith.constant 0 : i32
          %parallel_loop3A_320 = arith.constant 0 : i32
          %parallel_loop3A_321 = tpu.memref_slice %run_scoped3A[%rem3A_207, %parallel_loop3A_319, %parallel_loop3A_320] : memref<2x128x128xi32, #tpu.memory_space<vmem>> -> memref<1x128x128xi32, #tpu.memory_space<vmem>>
          %parallel_loop3A_322 = tpu.memref_squeeze %parallel_loop3A_321 : memref<1x128x128xi32, #tpu.memory_space<vmem>> -> memref<128x128xi32, #tpu.memory_space<vmem>>
          %parallel_loop3A_323 = arith.index_cast %parallel_loop3A_284 : i32 to index
          %parallel_loop3A_324 = arith.constant 32 : index
          %parallel_loop3A_325 = tpu.vector_load %parallel_loop3A_322[%parallel_loop3A_323, %parallel_loop3A_324] {strides = array<i32>} : memref<128x128xi32, #tpu.memory_space<vmem>>, vector<16xi32>,
          %parallel_loop3A_326 = arith.constant 18 : i32
          %parallel_loop3A_327 = vector.broadcast %parallel_loop3A_326 : i32 to vector<16xi32>
          %parallel_loop3A_328 = arith.shrsi %parallel_loop3A_325, %parallel_loop3A_327 : vector<16xi32>
          tpu.vector_store_idx %arg5[%parallel_loop3A_328], %broadcast_in_dim3A_3 {add = true} : memref<8192xi32, #tpu.memory_space<vmem>>[vector<16xi32>], vector<16xi32>,
          %parallel_loop3A_329 = arith.constant 0 : i32
          %parallel_loop3A_330 = arith.constant 0 : i32
          %parallel_loop3A_331 = tpu.memref_slice %run_scoped3A_16[%rem3A_209, %parallel_loop3A_329, %parallel_loop3A_330] : memref<2x128x128xi32, #tpu.memory_space<vmem>> -> memref<1x128x128xi32, #tpu.memory_space<vmem>>
          %parallel_loop3A_332 = tpu.memref_squeeze %parallel_loop3A_331 : memref<1x128x128xi32, #tpu.memory_space<vmem>> -> memref<128x128xi32, #tpu.memory_space<vmem>>
          %parallel_loop3A_333 = arith.index_cast %parallel_loop3A_284 : i32 to index
          %parallel_loop3A_334 = arith.constant 32 : index
          %parallel_loop3A_335 = tpu.vector_load %parallel_loop3A_332[%parallel_loop3A_333, %parallel_loop3A_334] {strides = array<i32>} : memref<128x128xi32, #tpu.memory_space<vmem>>, vector<16xi32>,
          tpu.vector_store %parallel_loop3A_332[%parallel_loop3A_333, %parallel_loop3A_334], %parallel_loop3A_325 {strides = array<i32>} : memref<128x128xi32, #tpu.memory_space<vmem>>, vector<16xi32>,
          %parallel_loop3A_336 = arith.constant 0 : i32
          %parallel_loop3A_337 = arith.constant 0 : i32
          %parallel_loop3A_338 = tpu.memref_slice %run_scoped3A[%rem3A_207, %parallel_loop3A_336, %parallel_loop3A_337] : memref<2x128x128xi32, #tpu.memory_space<vmem>> -> memref<1x128x128xi32, #tpu.memory_space<vmem>>
          %parallel_loop3A_339 = tpu.memref_squeeze %parallel_loop3A_338 : memref<1x128x128xi32, #tpu.memory_space<vmem>> -> memref<128x128xi32, #tpu.memory_space<vmem>>
          %parallel_loop3A_340 = arith.index_cast %parallel_loop3A_284 : i32 to index
          %parallel_loop3A_341 = arith.constant 48 : index
          %parallel_loop3A_342 = tpu.vector_load %parallel_loop3A_339[%parallel_loop3A_340, %parallel_loop3A_341] {strides = array<i32>} : memref<128x128xi32, #tpu.memory_space<vmem>>, vector<16xi32>,
          %parallel_loop3A_343 = arith.constant 18 : i32
          %parallel_loop3A_344 = vector.broadcast %parallel_loop3A_343 : i32 to vector<16xi32>
          %parallel_loop3A_345 = arith.shrsi %parallel_loop3A_342, %parallel_loop3A_344 : vector<16xi32>
          tpu.vector_store_idx %arg5[%parallel_loop3A_345], %broadcast_in_dim3A_3 {add = true} : memref<8192xi32, #tpu.memory_space<vmem>>[vector<16xi32>], vector<16xi32>,
          %parallel_loop3A_346 = arith.constant 0 : i32
          %parallel_loop3A_347 = arith.constant 0 : i32
          %parallel_loop3A_348 = tpu.memref_slice %run_scoped3A_16[%rem3A_209, %parallel_loop3A_346, %parallel_loop3A_347] : memref<2x128x128xi32, #tpu.memory_space<vmem>> -> memref<1x128x128xi32, #tpu.memory_space<vmem>>
          %parallel_loop3A_349 = tpu.memref_squeeze %parallel_loop3A_348 : memref<1x128x128xi32, #tpu.memory_space<vmem>> -> memref<128x128xi32, #tpu.memory_space<vmem>>
          %parallel_loop3A_350 = arith.index_cast %parallel_loop3A_284 : i32 to index
          %parallel_loop3A_351 = arith.constant 48 : index
          %parallel_loop3A_352 = tpu.vector_load %parallel_loop3A_349[%parallel_loop3A_350, %parallel_loop3A_351] {strides = array<i32>} : memref<128x128xi32, #tpu.memory_space<vmem>>, vector<16xi32>,
          tpu.vector_store %parallel_loop3A_349[%parallel_loop3A_350, %parallel_loop3A_351], %parallel_loop3A_342 {strides = array<i32>} : memref<128x128xi32, #tpu.memory_space<vmem>>, vector<16xi32>,
          %parallel_loop3A_353 = arith.constant 0 : i32
          %parallel_loop3A_354 = arith.constant 0 : i32
          %parallel_loop3A_355 = tpu.memref_slice %run_scoped3A[%rem3A_207, %parallel_loop3A_353, %parallel_loop3A_354] : memref<2x128x128xi32, #tpu.memory_space<vmem>> -> memref<1x128x128xi32, #tpu.memory_space<vmem>>
          %parallel_loop3A_356 = tpu.memref_squeeze %parallel_loop3A_355 : memref<1x128x128xi32, #tpu.memory_space<vmem>> -> memref<128x128xi32, #tpu.memory_space<vmem>>
          %parallel_loop3A_357 = arith.index_cast %parallel_loop3A_284 : i32 to index
          %parallel_loop3A_358 = arith.constant 64 : index
          %parallel_loop3A_359 = tpu.vector_load %parallel_loop3A_356[%parallel_loop3A_357, %parallel_loop3A_358] {strides = array<i32>} : memref<128x128xi32, #tpu.memory_space<vmem>>, vector<16xi32>,
          %parallel_loop3A_360 = arith.constant 18 : i32
          %parallel_loop3A_361 = vector.broadcast %parallel_loop3A_360 : i32 to vector<16xi32>
          %parallel_loop3A_362 = arith.shrsi %parallel_loop3A_359, %parallel_loop3A_361 : vector<16xi32>
          tpu.vector_store_idx %arg5[%parallel_loop3A_362], %broadcast_in_dim3A_3 {add = true} : memref<8192xi32, #tpu.memory_space<vmem>>[vector<16xi32>], vector<16xi32>,
          %parallel_loop3A_363 = arith.constant 0 : i32
          %parallel_loop3A_364 = arith.constant 0 : i32
          %parallel_loop3A_365 = tpu.memref_slice %run_scoped3A_16[%rem3A_209, %parallel_loop3A_363, %parallel_loop3A_364] : memref<2x128x128xi32, #tpu.memory_space<vmem>> -> memref<1x128x128xi32, #tpu.memory_space<vmem>>
          %parallel_loop3A_366 = tpu.memref_squeeze %parallel_loop3A_365 : memref<1x128x128xi32, #tpu.memory_space<vmem>> -> memref<128x128xi32, #tpu.memory_space<vmem>>
          %parallel_loop3A_367 = arith.index_cast %parallel_loop3A_284 : i32 to index
          %parallel_loop3A_368 = arith.constant 64 : index
          %parallel_loop3A_369 = tpu.vector_load %parallel_loop3A_366[%parallel_loop3A_367, %parallel_loop3A_368] {strides = array<i32>} : memref<128x128xi32, #tpu.memory_space<vmem>>, vector<16xi32>,
          tpu.vector_store %parallel_loop3A_366[%parallel_loop3A_367, %parallel_loop3A_368], %parallel_loop3A_359 {strides = array<i32>} : memref<128x128xi32, #tpu.memory_space<vmem>>, vector<16xi32>,
          %parallel_loop3A_370 = arith.constant 0 : i32
          %parallel_loop3A_371 = arith.constant 0 : i32
          %parallel_loop3A_372 = tpu.memref_slice %run_scoped3A[%rem3A_207, %parallel_loop3A_370, %parallel_loop3A_371] : memref<2x128x128xi32, #tpu.memory_space<vmem>> -> memref<1x128x128xi32, #tpu.memory_space<vmem>>
          %parallel_loop3A_373 = tpu.memref_squeeze %parallel_loop3A_372 : memref<1x128x128xi32, #tpu.memory_space<vmem>> -> memref<128x128xi32, #tpu.memory_space<vmem>>
          %parallel_loop3A_374 = arith.index_cast %parallel_loop3A_284 : i32 to index
          %parallel_loop3A_375 = arith.constant 80 : index
          %parallel_loop3A_376 = tpu.vector_load %parallel_loop3A_373[%parallel_loop3A_374, %parallel_loop3A_375] {strides = array<i32>} : memref<128x128xi32, #tpu.memory_space<vmem>>, vector<16xi32>,
          %parallel_loop3A_377 = arith.constant 18 : i32
          %parallel_loop3A_378 = vector.broadcast %parallel_loop3A_377 : i32 to vector<16xi32>
          %parallel_loop3A_379 = arith.shrsi %parallel_loop3A_376, %parallel_loop3A_378 : vector<16xi32>
          tpu.vector_store_idx %arg5[%parallel_loop3A_379], %broadcast_in_dim3A_3 {add = true} : memref<8192xi32, #tpu.memory_space<vmem>>[vector<16xi32>], vector<16xi32>,
          %parallel_loop3A_380 = arith.constant 0 : i32
          %parallel_loop3A_381 = arith.constant 0 : i32
          %parallel_loop3A_382 = tpu.memref_slice %run_scoped3A_16[%rem3A_209, %parallel_loop3A_380, %parallel_loop3A_381] : memref<2x128x128xi32, #tpu.memory_space<vmem>> -> memref<1x128x128xi32, #tpu.memory_space<vmem>>
          %parallel_loop3A_383 = tpu.memref_squeeze %parallel_loop3A_382 : memref<1x128x128xi32, #tpu.memory_space<vmem>> -> memref<128x128xi32, #tpu.memory_space<vmem>>
          %parallel_loop3A_384 = arith.index_cast %parallel_loop3A_284 : i32 to index
          %parallel_loop3A_385 = arith.constant 80 : index
          %parallel_loop3A_386 = tpu.vector_load %parallel_loop3A_383[%parallel_loop3A_384, %parallel_loop3A_385] {strides = array<i32>} : memref<128x128xi32, #tpu.memory_space<vmem>>, vector<16xi32>,
          tpu.vector_store %parallel_loop3A_383[%parallel_loop3A_384, %parallel_loop3A_385], %parallel_loop3A_376 {strides = array<i32>} : memref<128x128xi32, #tpu.memory_space<vmem>>, vector<16xi32>,
          %parallel_loop3A_387 = arith.constant 0 : i32
          %parallel_loop3A_388 = arith.constant 0 : i32
          %parallel_loop3A_389 = tpu.memref_slice %run_scoped3A[%rem3A_207, %parallel_loop3A_387, %parallel_loop3A_388] : memref<2x128x128xi32, #tpu.memory_space<vmem>> -> memref<1x128x128xi32, #tpu.memory_space<vmem>>
          %parallel_loop3A_390 = tpu.memref_squeeze %parallel_loop3A_389 : memref<1x128x128xi32, #tpu.memory_space<vmem>> -> memref<128x128xi32, #tpu.memory_space<vmem>>
          %parallel_loop3A_391 = arith.index_cast %parallel_loop3A_284 : i32 to index
          %parallel_loop3A_392 = arith.constant 96 : index
          %parallel_loop3A_393 = tpu.vector_load %parallel_loop3A_390[%parallel_loop3A_391, %parallel_loop3A_392] {strides = array<i32>} : memref<128x128xi32, #tpu.memory_space<vmem>>, vector<16xi32>,
          %parallel_loop3A_394 = arith.constant 18 : i32
          %parallel_loop3A_395 = vector.broadcast %parallel_loop3A_394 : i32 to vector<16xi32>
          %parallel_loop3A_396 = arith.shrsi %parallel_loop3A_393, %parallel_loop3A_395 : vector<16xi32>
          tpu.vector_store_idx %arg5[%parallel_loop3A_396], %broadcast_in_dim3A_3 {add = true} : memref<8192xi32, #tpu.memory_space<vmem>>[vector<16xi32>], vector<16xi32>,
          %parallel_loop3A_397 = arith.constant 0 : i32
          %parallel_loop3A_398 = arith.constant 0 : i32
          %parallel_loop3A_399 = tpu.memref_slice %run_scoped3A_16[%rem3A_209, %parallel_loop3A_397, %parallel_loop3A_398] : memref<2x128x128xi32, #tpu.memory_space<vmem>> -> memref<1x128x128xi32, #tpu.memory_space<vmem>>
          %parallel_loop3A_400 = tpu.memref_squeeze %parallel_loop3A_399 : memref<1x128x128xi32, #tpu.memory_space<vmem>> -> memref<128x128xi32, #tpu.memory_space<vmem>>
          %parallel_loop3A_401 = arith.index_cast %parallel_loop3A_284 : i32 to index
          %parallel_loop3A_402 = arith.constant 96 : index
          %parallel_loop3A_403 = tpu.vector_load %parallel_loop3A_400[%parallel_loop3A_401, %parallel_loop3A_402] {strides = array<i32>} : memref<128x128xi32, #tpu.memory_space<vmem>>, vector<16xi32>,
          tpu.vector_store %parallel_loop3A_400[%parallel_loop3A_401, %parallel_loop3A_402], %parallel_loop3A_393 {strides = array<i32>} : memref<128x128xi32, #tpu.memory_space<vmem>>, vector<16xi32>,
          %parallel_loop3A_404 = arith.constant 0 : i32
          %parallel_loop3A_405 = arith.constant 0 : i32
          %parallel_loop3A_406 = tpu.memref_slice %run_scoped3A[%rem3A_207, %parallel_loop3A_404, %parallel_loop3A_405] : memref<2x128x128xi32, #tpu.memory_space<vmem>> -> memref<1x128x128xi32, #tpu.memory_space<vmem>>
          %parallel_loop3A_407 = tpu.memref_squeeze %parallel_loop3A_406 : memref<1x128x128xi32, #tpu.memory_space<vmem>> -> memref<128x128xi32, #tpu.memory_space<vmem>>
          %parallel_loop3A_408 = arith.index_cast %parallel_loop3A_284 : i32 to index
          %parallel_loop3A_409 = arith.constant 112 : index
          %parallel_loop3A_410 = tpu.vector_load %parallel_loop3A_407[%parallel_loop3A_408, %parallel_loop3A_409] {strides = array<i32>} : memref<128x128xi32, #tpu.memory_space<vmem>>, vector<16xi32>,
          %parallel_loop3A_411 = arith.constant 18 : i32
          %parallel_loop3A_412 = vector.broadcast %parallel_loop3A_411 : i32 to vector<16xi32>
          %parallel_loop3A_413 = arith.shrsi %parallel_loop3A_410, %parallel_loop3A_412 : vector<16xi32>
          tpu.vector_store_idx %arg5[%parallel_loop3A_413], %broadcast_in_dim3A_3 {add = true} : memref<8192xi32, #tpu.memory_space<vmem>>[vector<16xi32>], vector<16xi32>,
          %parallel_loop3A_414 = arith.constant 0 : i32
          %parallel_loop3A_415 = arith.constant 0 : i32
          %parallel_loop3A_416 = tpu.memref_slice %run_scoped3A_16[%rem3A_209, %parallel_loop3A_414, %parallel_loop3A_415] : memref<2x128x128xi32, #tpu.memory_space<vmem>> -> memref<1x128x128xi32, #tpu.memory_space<vmem>>
          %parallel_loop3A_417 = tpu.memref_squeeze %parallel_loop3A_416 : memref<1x128x128xi32, #tpu.memory_space<vmem>> -> memref<128x128xi32, #tpu.memory_space<vmem>>
          %parallel_loop3A_418 = arith.index_cast %parallel_loop3A_284 : i32 to index
          %parallel_loop3A_419 = arith.constant 112 : index
          %parallel_loop3A_420 = tpu.vector_load %parallel_loop3A_417[%parallel_loop3A_418, %parallel_loop3A_419] {strides = array<i32>} : memref<128x128xi32, #tpu.memory_space<vmem>>, vector<16xi32>,
          tpu.vector_store %parallel_loop3A_417[%parallel_loop3A_418, %parallel_loop3A_419], %parallel_loop3A_410 {strides = array<i32>} : memref<128x128xi32, #tpu.memory_space<vmem>>, vector<16xi32>,
        } {sc.loop_unroll_factor = 2 : i64, sc.parallel_access}
        "tpu.trace_stop"() : () -> ()
        %ne3A_213 = arith.cmpi ne, %add3A_139, %add3A_157 : i32
        %or3A_214 = arith.constant false
        %or3A_215 = arith.ori %or3A_214, %ne3A_213 : i1
        %or3A_216 = arith.constant false
        %or3A_217 = arith.ori %or3A_215, %or3A_216 : i1
        %or3A_218 = arith.ori %or3A_217, %eq3A_138 : i1
        %convert_element_type3A_219 = arith.extui %or3A_218 : i1 to i32
        %cond3A_220 = arith.constant 0 : i32
        %cond3A_221 = arith.cmpi ne, %convert_element_type3A_219, %cond3A_220 : i32
        scf.if %cond3A_221 {
        } else {
        }
        %and3A_222 = arith.constant false
        %and3A_223 = arith.andi %or3A_218, %and3A_222 : i1
        %ne3A_224 = arith.cmpi ne, %add3A_139, %add3A_157 : i32
        %or3A_225 = arith.constant false
        %or3A_226 = arith.ori %or3A_225, %ne3A_224 : i1
        %or3A_227 = arith.constant false
        %or3A_228 = arith.ori %or3A_226, %or3A_227 : i1
        %or3A_229 = arith.ori %or3A_228, %eq3A_138 : i1
        %convert_element_type3A_230 = arith.extui %or3A_229 : i1 to i32
        %cond3A_231 = arith.constant 0 : i32
        %cond3A_232 = arith.cmpi ne, %convert_element_type3A_230, %cond3A_231 : i32
        scf.if %cond3A_232 {
          "tpu.trace_start"() <{level = 10 : i32, message = "ep_copy_out"}> : () -> ()
          %rem3A_284 = arith.constant 2 : i32
          %rem3A_285 = arith.remui %scan3A_132, %rem3A_284 : i32
          %mul3A_286 = arith.constant 128 : i32
          %mul3A_287 = arith.muli %mul3A_286, %add3A_139 : i32
          %dma_start3A_288 = arith.constant 0 : i32
          %dma_start3A_289 = arith.constant 0 : i32
          %dma_start3A_290 = tpu.memref_slice %run_scoped3A_16[%rem3A_285, %dma_start3A_288, %dma_start3A_289] : memref<2x128x128xi32, #tpu.memory_space<vmem>> -> memref<1x128x128xi32, #tpu.memory_space<vmem>>
          %dma_start3A_291 = tpu.memref_squeeze %dma_start3A_290 : memref<1x128x128xi32, #tpu.memory_space<vmem>> -> memref<128x128xi32, #tpu.memory_space<vmem>>
          %dma_start3A_292 = arith.constant 0 : i32
          %dma_start3A_293 = tpu.memref_slice %arg4[%mul3A_287, %dma_start3A_292] : memref<16384x128xi32, #tpu.memory_space<hbm>> -> memref<128x128xi32, #tpu.memory_space<hbm>>
          %dma_start3A_294 = tpu.memref_slice %run_scoped3A_17[%rem3A_285] : memref<2x!tpu.dma_semaphore, #tpu.memory_space<semaphore_mem>> -> memref<1x!tpu.dma_semaphore, #tpu.memory_space<semaphore_mem>>
          %dma_start3A_295 = tpu.memref_squeeze %dma_start3A_294 : memref<1x!tpu.dma_semaphore, #tpu.memory_space<semaphore_mem>> -> memref<!tpu.dma_semaphore, #tpu.memory_space<semaphore_mem>>
          %dma_start3A_296 = arith.constant 0 : i32
          %dma_start3A_297 = tpu.memref_slice %arg4[%mul3A_287, %dma_start3A_296] : memref<16384x128xi32, #tpu.memory_space<hbm>> -> memref<128x128xi32, #tpu.memory_space<hbm>>
          %dma_start3A_298 = arith.constant 0 : i32
          %dma_start3A_299 = arith.constant 0 : i32
          %dma_start3A_300 = tpu.memref_slice %run_scoped3A_16[%rem3A_285, %dma_start3A_298, %dma_start3A_299] : memref<2x128x128xi32, #tpu.memory_space<vmem>> -> memref<1x128x128xi32, #tpu.memory_space<vmem>>
          %dma_start3A_301 = tpu.memref_squeeze %dma_start3A_300 : memref<1x128x128xi32, #tpu.memory_space<vmem>> -> memref<128x128xi32, #tpu.memory_space<vmem>>
          tpu.enqueue_dma source(%dma_start3A_301 : memref<128x128xi32, #tpu.memory_space<vmem>>) target(%dma_start3A_297 : memref<128x128xi32, #tpu.memory_space<hbm>>) target_semaphore(%dma_start3A_295 : memref<!tpu.dma_semaphore, #tpu.memory_space<semaphore_mem>>)
          "tpu.trace_stop"() : () -> ()
        } else {
        }
        %and3A_233 = arith.constant true
        %and3A_234 = arith.andi %or3A_229, %and3A_233 : i1
        %add3A_235 = arith.constant 1 : i32
        %add3A_236 = arith.addi %scan3A_132, %add3A_235 : i32
        %select_n3A_237 = arith.select %and3A_234, %add3A_236, %scan3A_132 : i32
        %ne3A_238 = arith.cmpi ne, %add3A_139, %add3A_148 : i32
        %or3A_239 = arith.constant false
        %or3A_240 = arith.ori %or3A_239, %ne3A_238 : i1
        %or3A_241 = arith.constant false
        %or3A_242 = arith.ori %or3A_240, %or3A_241 : i1
        %not3A_243 = arith.constant true
        %not3A_244 = arith.xori %eq3A_136, %not3A_243 : i1
        %and3A_245 = arith.andi %or3A_242, %not3A_244 : i1
        %convert_element_type3A_246 = arith.extui %and3A_245 : i1 to i32
        %cond3A_247 = arith.constant 0 : i32
        %cond3A_248 = arith.cmpi ne, %convert_element_type3A_246, %cond3A_247 : i32
        scf.if %cond3A_248 {
        } else {
        }
        %and3A_249 = arith.constant false
        %and3A_250 = arith.andi %and3A_245, %and3A_249 : i1
        %ne3A_251 = arith.cmpi ne, %add3A_139, %add3A_148 : i32
        %or3A_252 = arith.constant false
        %or3A_253 = arith.ori %or3A_252, %ne3A_251 : i1
        %or3A_254 = arith.constant false
        %or3A_255 = arith.ori %or3A_253, %or3A_254 : i1
        %not3A_256 = arith.constant true
        %not3A_257 = arith.xori %eq3A_136, %not3A_256 : i1
        %and3A_258 = arith.andi %or3A_255, %not3A_257 : i1
        %convert_element_type3A_259 = arith.extui %and3A_258 : i1 to i32
        %cond3A_260 = arith.constant 0 : i32
        %cond3A_261 = arith.cmpi ne, %convert_element_type3A_259, %cond3A_260 : i32
        scf.if %cond3A_261 {
          "tpu.trace_start"() <{level = 10 : i32, message = "ep_wait_out"}> : () -> ()
          %rem3A_284 = arith.constant 2 : i32
          %rem3A_285 = arith.remui %scan3A_133, %rem3A_284 : i32
          %mul3A_286 = arith.constant 128 : i32
          %mul3A_287 = arith.muli %mul3A_286, %add3A_148 : i32
          %dma_wait3A_288 = arith.constant 0 : i32
          %dma_wait3A_289 = arith.constant 0 : i32
          %dma_wait3A_290 = tpu.memref_slice %run_scoped3A_16[%rem3A_285, %dma_wait3A_288, %dma_wait3A_289] : memref<2x128x128xi32, #tpu.memory_space<vmem>> -> memref<1x128x128xi32, #tpu.memory_space<vmem>>
          %dma_wait3A_291 = tpu.memref_squeeze %dma_wait3A_290 : memref<1x128x128xi32, #tpu.memory_space<vmem>> -> memref<128x128xi32, #tpu.memory_space<vmem>>
          %dma_wait3A_292 = arith.constant 0 : i32
          %dma_wait3A_293 = tpu.memref_slice %arg4[%mul3A_287, %dma_wait3A_292] : memref<16384x128xi32, #tpu.memory_space<hbm>> -> memref<128x128xi32, #tpu.memory_space<hbm>>
          %dma_wait3A_294 = tpu.memref_slice %run_scoped3A_17[%rem3A_285] : memref<2x!tpu.dma_semaphore, #tpu.memory_space<semaphore_mem>> -> memref<1x!tpu.dma_semaphore, #tpu.memory_space<semaphore_mem>>
          %dma_wait3A_295 = tpu.memref_squeeze %dma_wait3A_294 : memref<1x!tpu.dma_semaphore, #tpu.memory_space<semaphore_mem>> -> memref<!tpu.dma_semaphore, #tpu.memory_space<semaphore_mem>>
          %dma_wait3A_296 = arith.constant 0 : i32
          %dma_wait3A_297 = tpu.memref_slice %arg4[%mul3A_287, %dma_wait3A_296] : memref<16384x128xi32, #tpu.memory_space<hbm>> -> memref<128x128xi32, #tpu.memory_space<hbm>>
          %dma_wait3A_298 = arith.constant 0 : i32
          %dma_wait3A_299 = arith.constant 0 : i32
          %dma_wait3A_300 = tpu.memref_slice %run_scoped3A_16[%rem3A_285, %dma_wait3A_298, %dma_wait3A_299] : memref<2x128x128xi32, #tpu.memory_space<vmem>> -> memref<1x128x128xi32, #tpu.memory_space<vmem>>
          %dma_wait3A_301 = tpu.memref_squeeze %dma_wait3A_300 : memref<1x128x128xi32, #tpu.memory_space<vmem>> -> memref<128x128xi32, #tpu.memory_space<vmem>>
          tpu.wait_dma2 semaphore(%dma_wait3A_295 : memref<!tpu.dma_semaphore, #tpu.memory_space<semaphore_mem>>) src(%dma_wait3A_301 : memref<128x128xi32, #tpu.memory_space<vmem>>) dst(%dma_wait3A_297 : memref<128x128xi32, #tpu.memory_space<hbm>>)
          "tpu.trace_stop"() : () -> ()
        } else {
        }
        %and3A_262 = arith.constant true
        %and3A_263 = arith.andi %and3A_258, %and3A_262 : i1
        %add3A_264 = arith.constant 1 : i32
        %add3A_265 = arith.addi %scan3A_133, %add3A_264 : i32
        %select_n3A_266 = arith.select %and3A_263, %add3A_265, %scan3A_133 : i32
        %ne3A_267 = arith.cmpi ne, %add3A_139, %add3A_157 : i32
        %or3A_268 = arith.constant false
        %or3A_269 = arith.ori %or3A_268, %ne3A_267 : i1
        %or3A_270 = arith.constant false
        %or3A_271 = arith.ori %or3A_269, %or3A_270 : i1
        %or3A_272 = arith.ori %or3A_271, %eq3A_138 : i1
        %add3A_273 = arith.constant 1 : i32
        %add3A_274 = arith.addi %scan3A_131, %add3A_273 : i32
        %select_n3A_275 = arith.select %or3A_272, %add3A_274, %scan3A_131 : i32
        %add3A_276 = arith.constant 1 : i32
        %add3A_277 = arith.addi %scan3A_134, %add3A_276 : i32
        %select_n3A_278 = arith.constant true
        %select_n3A_279 = arith.select %select_n3A_278, %add3A_277, %scan3A_134 : i32
        %eq3A_280 = arith.constant 4 : i32
        %eq3A_281 = arith.cmpi eq, %select_n3A_279, %eq3A_280 : i32
        %select_n3A_282 = arith.constant 0 : i32
        %select_n3A_283 = arith.select %eq3A_281, %select_n3A_282, %select_n3A_279 : i32
        scf.yield %select_n3A_177, %select_n3A_275, %select_n3A_237, %select_n3A_266, %select_n3A_283 : i32, i32, i32, i32, i32
      }
      %scan3A_76 = arith.constant 4 : i32
      %sub3A = arith.constant 1 : i32
      %sub3A_77 = arith.subi %scan3A_75#4, %sub3A : i32
      %select_n3A_78 = arith.constant true
      %select_n3A_79 = arith.select %select_n3A_78, %sub3A_77, %scan3A_75#4 : i32
      %eq3A_80 = arith.constant -1 : i32
      %eq3A_81 = arith.cmpi eq, %select_n3A_79, %eq3A_80 : i32
      %select_n3A_82 = arith.constant 3 : i32
      %select_n3A_83 = arith.select %eq3A_81, %select_n3A_82, %select_n3A_79 : i32
      %add3A_84 = arith.addi %select_n3A_83, %mul3A_12 : i32
      %sub3A_85 = arith.constant 1 : i32
      %sub3A_86 = arith.subi %select_n3A_83, %sub3A_85 : i32
      %select_n3A_87 = arith.constant true
      %select_n3A_88 = arith.select %select_n3A_87, %sub3A_86, %select_n3A_83 : i32
      %eq3A_89 = arith.constant -1 : i32
      %eq3A_90 = arith.cmpi eq, %select_n3A_88, %eq3A_89 : i32
      %select_n3A_91 = arith.constant 3 : i32
      %select_n3A_92 = arith.select %eq3A_90, %select_n3A_91, %select_n3A_88 : i32
      %add3A_93 = arith.addi %select_n3A_92, %mul3A_12 : i32
      %add3A_94 = arith.constant 1 : i32
      %add3A_95 = arith.addi %select_n3A_83, %add3A_94 : i32
      %select_n3A_96 = arith.constant true
      %select_n3A_97 = arith.select %select_n3A_96, %add3A_95, %select_n3A_83 : i32
      %eq3A_98 = arith.constant 4 : i32
      %eq3A_99 = arith.cmpi eq, %select_n3A_97, %eq3A_98 : i32
      %select_n3A_100 = arith.constant 0 : i32
      %select_n3A_101 = arith.select %eq3A_99, %select_n3A_100, %select_n3A_97 : i32
      %add3A_102 = arith.addi %select_n3A_101, %mul3A_12 : i32
      %add3A_103 = arith.constant 1 : i32
      %add3A_104 = arith.addi %select_n3A_101, %add3A_103 : i32
      %select_n3A_105 = arith.constant true
      %select_n3A_106 = arith.select %select_n3A_105, %add3A_104, %select_n3A_101 : i32
      %eq3A_107 = arith.constant 4 : i32
      %eq3A_108 = arith.cmpi eq, %select_n3A_106, %eq3A_107 : i32
      %select_n3A_109 = arith.constant 0 : i32
      %select_n3A_110 = arith.select %eq3A_108, %select_n3A_109, %select_n3A_106 : i32
      %add3A_111 = arith.addi %select_n3A_110, %mul3A_12 : i32
      "tpu.trace_start"() <{level = 10 : i32, message = "ep_finalize"}> : () -> ()
      %rem3A_112 = arith.constant 2 : i32
      %rem3A_113 = arith.remui %scan3A_75#3, %rem3A_112 : i32
      %mul3A_114 = arith.constant 128 : i32
      %mul3A_115 = arith.muli %mul3A_114, %add3A_84 : i32
      %dma_wait3A = arith.constant 0 : i32
      %dma_wait3A_116 = arith.constant 0 : i32
      %dma_wait3A_117 = tpu.memref_slice %run_scoped3A_16[%rem3A_113, %dma_wait3A, %dma_wait3A_116] : memref<2x128x128xi32, #tpu.memory_space<vmem>> -> memref<1x128x128xi32, #tpu.memory_space<vmem>>
      %dma_wait3A_118 = tpu.memref_squeeze %dma_wait3A_117 : memref<1x128x128xi32, #tpu.memory_space<vmem>> -> memref<128x128xi32, #tpu.memory_space<vmem>>
      %dma_wait3A_119 = arith.constant 0 : i32
      %dma_wait3A_120 = tpu.memref_slice %arg4[%mul3A_115, %dma_wait3A_119] : memref<16384x128xi32, #tpu.memory_space<hbm>> -> memref<128x128xi32, #tpu.memory_space<hbm>>
      %dma_wait3A_121 = tpu.memref_slice %run_scoped3A_17[%rem3A_113] : memref<2x!tpu.dma_semaphore, #tpu.memory_space<semaphore_mem>> -> memref<1x!tpu.dma_semaphore, #tpu.memory_space<semaphore_mem>>
      %dma_wait3A_122 = tpu.memref_squeeze %dma_wait3A_121 : memref<1x!tpu.dma_semaphore, #tpu.memory_space<semaphore_mem>> -> memref<!tpu.dma_semaphore, #tpu.memory_space<semaphore_mem>>
      %dma_wait3A_123 = arith.constant 0 : i32
      %dma_wait3A_124 = tpu.memref_slice %arg4[%mul3A_115, %dma_wait3A_123] : memref<16384x128xi32, #tpu.memory_space<hbm>> -> memref<128x128xi32, #tpu.memory_space<hbm>>
      %dma_wait3A_125 = arith.constant 0 : i32
      %dma_wait3A_126 = arith.constant 0 : i32
      %dma_wait3A_127 = tpu.memref_slice %run_scoped3A_16[%rem3A_113, %dma_wait3A_125, %dma_wait3A_126] : memref<2x128x128xi32, #tpu.memory_space<vmem>> -> memref<1x128x128xi32, #tpu.memory_space<vmem>>
      %dma_wait3A_128 = tpu.memref_squeeze %dma_wait3A_127 : memref<1x128x128xi32, #tpu.memory_space<vmem>> -> memref<128x128xi32, #tpu.memory_space<vmem>>
      tpu.wait_dma2 semaphore(%dma_wait3A_122 : memref<!tpu.dma_semaphore, #tpu.memory_space<semaphore_mem>>) src(%dma_wait3A_128 : memref<128x128xi32, #tpu.memory_space<vmem>>) dst(%dma_wait3A_124 : memref<128x128xi32, #tpu.memory_space<hbm>>)
      "tpu.trace_stop"() : () -> ()
      tpu.yield
    }) : () -> ()
    %mul3A_13 = arith.constant 8192 : i32
    %mul3A_14 = arith.muli %add3A, %mul3A_13 : i32
    "tpu.region"() ({
      %run_scoped3A = tpu.sem_alloc : memref<!tpu.dma_semaphore, #tpu.memory_space<semaphore_mem>>
      %dma_start3A = tpu.memref_slice %arg3[%mul3A_14] : memref<262144xi32, #tpu.memory_space<hbm>> -> memref<8192xi32, #tpu.memory_space<hbm>>
      %dma_start3A_15 = tpu.memref_slice %arg3[%mul3A_14] : memref<262144xi32, #tpu.memory_space<hbm>> -> memref<8192xi32, #tpu.memory_space<hbm>>
      tpu.enqueue_dma source(%arg5 : memref<8192xi32, #tpu.memory_space<vmem>>) target(%dma_start3A_15 : memref<8192xi32, #tpu.memory_space<hbm>>) target_semaphore(%run_scoped3A : memref<!tpu.dma_semaphore, #tpu.memory_space<semaphore_mem>>)
      %dma_wait3A = tpu.memref_slice %arg3[%mul3A_14] : memref<262144xi32, #tpu.memory_space<hbm>> -> memref<8192xi32, #tpu.memory_space<hbm>>
      %dma_wait3A_16 = tpu.memref_slice %arg3[%mul3A_14] : memref<262144xi32, #tpu.memory_space<hbm>> -> memref<8192xi32, #tpu.memory_space<hbm>>
      tpu.wait_dma2 semaphore(%run_scoped3A : memref<!tpu.dma_semaphore, #tpu.memory_space<semaphore_mem>>) src(%arg5 : memref<8192xi32, #tpu.memory_space<vmem>>) dst(%dma_wait3A_16 : memref<8192xi32, #tpu.memory_space<hbm>>)
      tpu.yield
    }) : () -> ()
    return
  }
}

#map = affine_map<(d0, d1) -> (0, 0)>
#map1 = affine_map<(d0, d1) -> (0)>
module attributes {stable_mosaic.version = 14 : i64} {
  func.func @k(%arg0: i32, %arg1: i32, %arg2: memref<16384x128xi32, #tpu.memory_space<hbm>>, %arg3: memref<16xi32, #tpu.memory_space<hbm>>, %arg4: memref<1048576xi32, #tpu.memory_space<hbm>>, %arg5: memref<32768xi32, #tpu.memory_space<vmem>>, %arg6: memref<16xi32, #tpu.memory_space<vmem>>) attributes {dimension_semantics = [#tpu.dimension_semantics<core_parallel>, #tpu.dimension_semantics<subcore_parallel>], iteration_bounds = array<i64: 2, 16>, scalar_prefetch = 0 : i64, scratch_operands = 2 : i64, tpu.core_type = #tpu.core_type<sc_vector_subcore>, window_params = [{transform_indices = #map}, {transform_indices = #map1}, {transform_indices = #map1}]} {
    %mul3A = arith.constant 2 : i32
    %mul3A_0 = arith.muli %arg1, %mul3A : i32
    %add3A = arith.addi %mul3A_0, %arg0 : i32
    "tpu.region"() ({
      %run_scoped3A = tpu.sem_alloc : memref<!tpu.dma_semaphore, #tpu.memory_space<semaphore_mem>>
      tpu.enqueue_dma source(%arg3 : memref<16xi32, #tpu.memory_space<hbm>>) target(%arg6 : memref<16xi32, #tpu.memory_space<vmem>>) target_semaphore(%run_scoped3A : memref<!tpu.dma_semaphore, #tpu.memory_space<semaphore_mem>>)
      tpu.wait_dma2 semaphore(%run_scoped3A : memref<!tpu.dma_semaphore, #tpu.memory_space<semaphore_mem>>) src(%arg3 : memref<16xi32, #tpu.memory_space<hbm>>) dst(%arg6 : memref<16xi32, #tpu.memory_space<vmem>>)
      tpu.yield
    }) : () -> ()
    %parallel_loop3A = arith.constant 0 : i32
    %parallel_loop3A_1 = arith.constant 32768 : i32
    %parallel_loop3A_2 = arith.constant 16 : i32
    scf.for %parallel_loop3A_16 = %parallel_loop3A to %parallel_loop3A_1 step %parallel_loop3A_2  : i32 {
      %parallel_loop3A_17 = arith.constant 0 : i32
      %parallel_loop3A_18 = vector.broadcast %parallel_loop3A_17 : i32 to vector<16xi32>
      %parallel_loop3A_19 = arith.index_cast %parallel_loop3A_16 : i32 to index
      %parallel_loop3A_20 = tpu.vector_load %arg5[%parallel_loop3A_19] {strides = array<i32>} : memref<32768xi32, #tpu.memory_space<vmem>>, vector<16xi32>,
      tpu.vector_store %arg5[%parallel_loop3A_19], %parallel_loop3A_18 {strides = array<i32>} : memref<32768xi32, #tpu.memory_space<vmem>>, vector<16xi32>,
    } {sc.loop_unroll_factor = 8 : i64, sc.parallel_access}
    %broadcast_in_dim3A = arith.constant 1 : i32
    %broadcast_in_dim3A_3 = vector.broadcast %broadcast_in_dim3A : i32 to vector<16xi32>
    %get3A = arith.constant 0 : index
    %get3A_4 = tpu.vector_load %arg6[%get3A] {strides = array<i32>} : memref<16xi32, #tpu.memory_space<vmem>>, vector<16xi32>,
    %mul3A_5 = arith.constant 1 : i32
    %mul3A_6 = arith.muli %arg1, %mul3A_5 : i32
    %add3A_7 = arith.constant 0 : i32
    %add3A_8 = arith.addi %add3A_7, %mul3A_6 : i32
    %mul3A_9 = arith.constant 16 : i32
    %mul3A_10 = arith.muli %arg0, %mul3A_9 : i32
    %add3A_11 = arith.addi %add3A_8, %mul3A_10 : i32
    %mul3A_12 = arith.constant 4 : i32
    %mul3A_13 = arith.muli %add3A_11, %mul3A_12 : i32
    "tpu.region"() ({
      %run_scoped3A = memref.alloca() : memref<2x128x128xi32, #tpu.memory_space<vmem>>
      %run_scoped3A_16 = tpu.sem_alloc : memref<2x!tpu.dma_semaphore, #tpu.memory_space<semaphore_mem>>
      %add3A_17 = arith.constant 0 : i32
      %add3A_18 = arith.addi %add3A_17, %mul3A_13 : i32
      %select_n3A = arith.constant true
      %select_n3A_19 = arith.constant 0 : i32
      %select_n3A_20 = arith.constant -1 : i32
      %select_n3A_21 = arith.select %select_n3A, %select_n3A_20, %select_n3A_19 : i32
      %eq3A = arith.constant -1 : i32
      %eq3A_22 = arith.cmpi eq, %select_n3A_21, %eq3A : i32
      %select_n3A_23 = arith.constant 3 : i32
      %select_n3A_24 = arith.select %eq3A_22, %select_n3A_23, %select_n3A_21 : i32
      %add3A_25 = arith.addi %select_n3A_24, %mul3A_13 : i32
      %select_n3A_26 = arith.constant true
      %select_n3A_27 = arith.constant 0 : i32
      %select_n3A_28 = arith.constant 1 : i32
      %select_n3A_29 = arith.select %select_n3A_26, %select_n3A_28, %select_n3A_27 : i32
      %eq3A_30 = arith.constant 4 : i32
      %eq3A_31 = arith.cmpi eq, %select_n3A_29, %eq3A_30 : i32
      %select_n3A_32 = arith.constant 0 : i32
      %select_n3A_33 = arith.select %eq3A_31, %select_n3A_32, %select_n3A_29 : i32
      %add3A_34 = arith.addi %select_n3A_33, %mul3A_13 : i32
      %add3A_35 = arith.constant 1 : i32
      %add3A_36 = arith.addi %select_n3A_33, %add3A_35 : i32
      %select_n3A_37 = arith.constant true
      %select_n3A_38 = arith.select %select_n3A_37, %add3A_36, %select_n3A_33 : i32
      %eq3A_39 = arith.constant 4 : i32
      %eq3A_40 = arith.cmpi eq, %select_n3A_38, %eq3A_39 : i32
      %select_n3A_41 = arith.constant 0 : i32
      %select_n3A_42 = arith.select %eq3A_40, %select_n3A_41, %select_n3A_38 : i32
      %add3A_43 = arith.addi %select_n3A_42, %mul3A_13 : i32
      "tpu.trace_start"() <{level = 10 : i32, message = "ep_initialize_0"}> : () -> ()
      %rem3A = arith.constant 0 : i32
      %rem3A_44 = arith.constant 2 : i32
      %rem3A_45 = arith.remui %rem3A, %rem3A_44 : i32
      %mul3A_46 = arith.constant 128 : i32
      %mul3A_47 = arith.muli %mul3A_46, %add3A_18 : i32
      %dma_start3A = arith.constant 0 : i32
      %dma_start3A_48 = arith.constant 0 : i32
      %dma_start3A_49 = tpu.memref_slice %run_scoped3A[%rem3A_45, %dma_start3A, %dma_start3A_48] : memref<2x128x128xi32, #tpu.memory_space<vmem>> -> memref<1x128x128xi32, #tpu.memory_space<vmem>>
      %dma_start3A_50 = tpu.memref_squeeze %dma_start3A_49 : memref<1x128x128xi32, #tpu.memory_space<vmem>> -> memref<128x128xi32, #tpu.memory_space<vmem>>
      %dma_start3A_51 = arith.constant 0 : i32
      %dma_start3A_52 = tpu.memref_slice %arg2[%mul3A_47, %dma_start3A_51] : memref<16384x128xi32, #tpu.memory_space<hbm>> -> memref<128x128xi32, #tpu.memory_space<hbm>>
      %dma_start3A_53 = tpu.memref_slice %run_scoped3A_16[%rem3A_45] : memref<2x!tpu.dma_semaphore, #tpu.memory_space<semaphore_mem>> -> memref<1x!tpu.dma_semaphore, #tpu.memory_space<semaphore_mem>>
      %dma_start3A_54 = tpu.memref_squeeze %dma_start3A_53 : memref<1x!tpu.dma_semaphore, #tpu.memory_space<semaphore_mem>> -> memref<!tpu.dma_semaphore, #tpu.memory_space<semaphore_mem>>
      %dma_start3A_55 = arith.constant 0 : i32
      %dma_start3A_56 = arith.constant 0 : i32
      %dma_start3A_57 = tpu.memref_slice %run_scoped3A[%rem3A_45, %dma_start3A_55, %dma_start3A_56] : memref<2x128x128xi32, #tpu.memory_space<vmem>> -> memref<1x128x128xi32, #tpu.memory_space<vmem>>
      %dma_start3A_58 = tpu.memref_squeeze %dma_start3A_57 : memref<1x128x128xi32, #tpu.memory_space<vmem>> -> memref<128x128xi32, #tpu.memory_space<vmem>>
      %dma_start3A_59 = arith.constant 0 : i32
      %dma_start3A_60 = tpu.memref_slice %arg2[%mul3A_47, %dma_start3A_59] : memref<16384x128xi32, #tpu.memory_space<hbm>> -> memref<128x128xi32, #tpu.memory_space<hbm>>
      tpu.enqueue_dma source(%dma_start3A_60 : memref<128x128xi32, #tpu.memory_space<hbm>>) target(%dma_start3A_58 : memref<128x128xi32, #tpu.memory_space<vmem>>) target_semaphore(%dma_start3A_54 : memref<!tpu.dma_semaphore, #tpu.memory_space<semaphore_mem>>)
      %add3A_61 = arith.constant 0 : i32
      %add3A_62 = arith.constant 1 : i32
      %add3A_63 = arith.addi %add3A_61, %add3A_62 : i32
      %select_n3A_64 = arith.constant true
      %select_n3A_65 = arith.constant 0 : i32
      %select_n3A_66 = arith.select %select_n3A_64, %add3A_63, %select_n3A_65 : i32
      "tpu.trace_stop"() : () -> ()
      %scan3A = arith.constant 0 : i32
      %scan3A_67 = arith.constant 0 : i32
      %scan3A_68 = arith.constant 0 : i32
      %scan3A_69 = arith.constant 4 : i32
      %scan3A_70 = arith.addi %scan3A_68, %scan3A_69 : i32
      %scan3A_71 = arith.constant 1 : i32
      %scan3A_72:3 = scf.for %scan3A_109 = %scan3A_68 to %scan3A_70 step %scan3A_71 iter_args(%scan3A_110 = %select_n3A_66, %scan3A_111 = %scan3A, %scan3A_112 = %scan3A_67) -> (i32, i32, i32)  : i32 {
        %eq3A_113 = arith.constant 0 : i32
        %eq3A_114 = arith.cmpi eq, %scan3A_109, %eq3A_113 : i32
        %eq3A_115 = arith.constant 3 : i32
        %eq3A_116 = arith.cmpi eq, %scan3A_109, %eq3A_115 : i32
        %add3A_117 = arith.addi %scan3A_112, %mul3A_13 : i32
        %sub3A_118 = arith.constant 1 : i32
        %sub3A_119 = arith.subi %scan3A_112, %sub3A_118 : i32
        %select_n3A_120 = arith.constant true
        %select_n3A_121 = arith.select %select_n3A_120, %sub3A_119, %scan3A_112 : i32
        %eq3A_122 = arith.constant -1 : i32
        %eq3A_123 = arith.cmpi eq, %select_n3A_121, %eq3A_122 : i32
        %select_n3A_124 = arith.constant 3 : i32
        %select_n3A_125 = arith.select %eq3A_123, %select_n3A_124, %select_n3A_121 : i32
        %add3A_126 = arith.addi %select_n3A_125, %mul3A_13 : i32
        %add3A_127 = arith.constant 1 : i32
        %add3A_128 = arith.addi %scan3A_112, %add3A_127 : i32
        %select_n3A_129 = arith.constant true
        %select_n3A_130 = arith.select %select_n3A_129, %add3A_128, %scan3A_112 : i32
        %eq3A_131 = arith.constant 4 : i32
        %eq3A_132 = arith.cmpi eq, %select_n3A_130, %eq3A_131 : i32
        %select_n3A_133 = arith.constant 0 : i32
        %select_n3A_134 = arith.select %eq3A_132, %select_n3A_133, %select_n3A_130 : i32
        %add3A_135 = arith.addi %select_n3A_134, %mul3A_13 : i32
        %add3A_136 = arith.constant 1 : i32
        %add3A_137 = arith.addi %select_n3A_134, %add3A_136 : i32
        %select_n3A_138 = arith.constant true
        %select_n3A_139 = arith.select %select_n3A_138, %add3A_137, %select_n3A_134 : i32
        %eq3A_140 = arith.constant 4 : i32
        %eq3A_141 = arith.cmpi eq, %select_n3A_139, %eq3A_140 : i32
        %select_n3A_142 = arith.constant 0 : i32
        %select_n3A_143 = arith.select %eq3A_141, %select_n3A_142, %select_n3A_139 : i32
        %add3A_144 = arith.addi %select_n3A_143, %mul3A_13 : i32
        %ne3A = arith.cmpi ne, %add3A_117, %add3A_135 : i32
        %or3A = arith.constant false
        %or3A_145 = arith.ori %or3A, %ne3A : i1
        %or3A_146 = arith.constant false
        %or3A_147 = arith.ori %or3A_145, %or3A_146 : i1
        %ge3A = arith.constant 3 : i32
        %ge3A_148 = arith.cmpi sge, %scan3A_109, %ge3A : i32
        %not3A = arith.constant true
        %not3A_149 = arith.xori %ge3A_148, %not3A : i1
        %and3A = arith.andi %or3A_147, %not3A_149 : i1
        %convert_element_type3A = arith.extui %and3A : i1 to i32
        %cond3A = arith.constant 0 : i32
        %cond3A_150 = arith.cmpi ne, %convert_element_type3A, %cond3A : i32
        scf.if %cond3A_150 {
          "tpu.trace_start"() <{level = 10 : i32, message = "ep_copy_in"}> : () -> ()
          %rem3A_211 = arith.constant 2 : i32
          %rem3A_212 = arith.remui %scan3A_110, %rem3A_211 : i32
          %mul3A_213 = arith.constant 128 : i32
          %mul3A_214 = arith.muli %mul3A_213, %add3A_135 : i32
          %dma_start3A_215 = arith.constant 0 : i32
          %dma_start3A_216 = arith.constant 0 : i32
          %dma_start3A_217 = tpu.memref_slice %run_scoped3A[%rem3A_212, %dma_start3A_215, %dma_start3A_216] : memref<2x128x128xi32, #tpu.memory_space<vmem>> -> memref<1x128x128xi32, #tpu.memory_space<vmem>>
          %dma_start3A_218 = tpu.memref_squeeze %dma_start3A_217 : memref<1x128x128xi32, #tpu.memory_space<vmem>> -> memref<128x128xi32, #tpu.memory_space<vmem>>
          %dma_start3A_219 = arith.constant 0 : i32
          %dma_start3A_220 = tpu.memref_slice %arg2[%mul3A_214, %dma_start3A_219] : memref<16384x128xi32, #tpu.memory_space<hbm>> -> memref<128x128xi32, #tpu.memory_space<hbm>>
          %dma_start3A_221 = tpu.memref_slice %run_scoped3A_16[%rem3A_212] : memref<2x!tpu.dma_semaphore, #tpu.memory_space<semaphore_mem>> -> memref<1x!tpu.dma_semaphore, #tpu.memory_space<semaphore_mem>>
          %dma_start3A_222 = tpu.memref_squeeze %dma_start3A_221 : memref<1x!tpu.dma_semaphore, #tpu.memory_space<semaphore_mem>> -> memref<!tpu.dma_semaphore, #tpu.memory_space<semaphore_mem>>
          %dma_start3A_223 = arith.constant 0 : i32
          %dma_start3A_224 = arith.constant 0 : i32
          %dma_start3A_225 = tpu.memref_slice %run_scoped3A[%rem3A_212, %dma_start3A_223, %dma_start3A_224] : memref<2x128x128xi32, #tpu.memory_space<vmem>> -> memref<1x128x128xi32, #tpu.memory_space<vmem>>
          %dma_start3A_226 = tpu.memref_squeeze %dma_start3A_225 : memref<1x128x128xi32, #tpu.memory_space<vmem>> -> memref<128x128xi32, #tpu.memory_space<vmem>>
          %dma_start3A_227 = arith.constant 0 : i32
          %dma_start3A_228 = tpu.memref_slice %arg2[%mul3A_214, %dma_start3A_227] : memref<16384x128xi32, #tpu.memory_space<hbm>> -> memref<128x128xi32, #tpu.memory_space<hbm>>
          tpu.enqueue_dma source(%dma_start3A_228 : memref<128x128xi32, #tpu.memory_space<hbm>>) target(%dma_start3A_226 : memref<128x128xi32, #tpu.memory_space<vmem>>) target_semaphore(%dma_start3A_222 : memref<!tpu.dma_semaphore, #tpu.memory_space<semaphore_mem>>)
          "tpu.trace_stop"() : () -> ()
        } else {
        }
        %and3A_151 = arith.constant true
        %and3A_152 = arith.andi %and3A, %and3A_151 : i1
        %add3A_153 = arith.constant 1 : i32
        %add3A_154 = arith.addi %scan3A_110, %add3A_153 : i32
        %select_n3A_155 = arith.select %and3A_152, %add3A_154, %scan3A_110 : i32
        %ne3A_156 = arith.cmpi ne, %add3A_117, %add3A_126 : i32
        %or3A_157 = arith.constant false
        %or3A_158 = arith.ori %or3A_157, %ne3A_156 : i1
        %or3A_159 = arith.constant false
        %or3A_160 = arith.ori %or3A_158, %or3A_159 : i1
        %or3A_161 = arith.ori %or3A_160, %eq3A_114 : i1
        %convert_element_type3A_162 = arith.extui %or3A_161 : i1 to i32
        %cond3A_163 = arith.constant 0 : i32
        %cond3A_164 = arith.cmpi ne, %convert_element_type3A_162, %cond3A_163 : i32
        scf.if %cond3A_164 {
          "tpu.trace_start"() <{level = 10 : i32, message = "ep_wait_in"}> : () -> ()
          %mul3A_211 = arith.constant 128 : i32
          %mul3A_212 = arith.muli %mul3A_211, %add3A_117 : i32
          %rem3A_213 = arith.constant 2 : i32
          %rem3A_214 = arith.remui %scan3A_111, %rem3A_213 : i32
          %dma_wait3A = arith.constant 0 : i32
          %dma_wait3A_215 = arith.constant 0 : i32
          %dma_wait3A_216 = tpu.memref_slice %run_scoped3A[%rem3A_214, %dma_wait3A, %dma_wait3A_215] : memref<2x128x128xi32, #tpu.memory_space<vmem>> -> memref<1x128x128xi32, #tpu.memory_space<vmem>>
          %dma_wait3A_217 = tpu.memref_squeeze %dma_wait3A_216 : memref<1x128x128xi32, #tpu.memory_space<vmem>> -> memref<128x128xi32, #tpu.memory_space<vmem>>
          %dma_wait3A_218 = arith.constant 0 : i32
          %dma_wait3A_219 = tpu.memref_slice %arg2[%mul3A_212, %dma_wait3A_218] : memref<16384x128xi32, #tpu.memory_space<hbm>> -> memref<128x128xi32, #tpu.memory_space<hbm>>
          %dma_wait3A_220 = tpu.memref_slice %run_scoped3A_16[%rem3A_214] : memref<2x!tpu.dma_semaphore, #tpu.memory_space<semaphore_mem>> -> memref<1x!tpu.dma_semaphore, #tpu.memory_space<semaphore_mem>>
          %dma_wait3A_221 = tpu.memref_squeeze %dma_wait3A_220 : memref<1x!tpu.dma_semaphore, #tpu.memory_space<semaphore_mem>> -> memref<!tpu.dma_semaphore, #tpu.memory_space<semaphore_mem>>
          %dma_wait3A_222 = arith.constant 0 : i32
          %dma_wait3A_223 = arith.constant 0 : i32
          %dma_wait3A_224 = tpu.memref_slice %run_scoped3A[%rem3A_214, %dma_wait3A_222, %dma_wait3A_223] : memref<2x128x128xi32, #tpu.memory_space<vmem>> -> memref<1x128x128xi32, #tpu.memory_space<vmem>>
          %dma_wait3A_225 = tpu.memref_squeeze %dma_wait3A_224 : memref<1x128x128xi32, #tpu.memory_space<vmem>> -> memref<128x128xi32, #tpu.memory_space<vmem>>
          %dma_wait3A_226 = arith.constant 0 : i32
          %dma_wait3A_227 = tpu.memref_slice %arg2[%mul3A_212, %dma_wait3A_226] : memref<16384x128xi32, #tpu.memory_space<hbm>> -> memref<128x128xi32, #tpu.memory_space<hbm>>
          tpu.wait_dma2 semaphore(%dma_wait3A_221 : memref<!tpu.dma_semaphore, #tpu.memory_space<semaphore_mem>>) src(%dma_wait3A_227 : memref<128x128xi32, #tpu.memory_space<hbm>>) dst(%dma_wait3A_225 : memref<128x128xi32, #tpu.memory_space<vmem>>)
          "tpu.trace_stop"() : () -> ()
        } else {
        }
        %rem3A_165 = arith.constant 2 : i32
        %rem3A_166 = arith.remui %scan3A_111, %rem3A_165 : i32
        %parallel_loop3A_167 = arith.constant 0 : i32
        %parallel_loop3A_168 = arith.constant 128 : i32
        %parallel_loop3A_169 = arith.constant 1 : i32
        "tpu.trace_start"() <{level = 10 : i32, message = "ep_run_kernel"}> : () -> ()
        scf.for %parallel_loop3A_211 = %parallel_loop3A_167 to %parallel_loop3A_168 step %parallel_loop3A_169  : i32 {
          %parallel_loop3A_212 = arith.constant 0 : i32
          %parallel_loop3A_213 = arith.constant 0 : i32
          %parallel_loop3A_214 = tpu.memref_slice %run_scoped3A[%rem3A_166, %parallel_loop3A_212, %parallel_loop3A_213] : memref<2x128x128xi32, #tpu.memory_space<vmem>> -> memref<1x128x128xi32, #tpu.memory_space<vmem>>
          %parallel_loop3A_215 = tpu.memref_squeeze %parallel_loop3A_214 : memref<1x128x128xi32, #tpu.memory_space<vmem>> -> memref<128x128xi32, #tpu.memory_space<vmem>>
          %parallel_loop3A_216 = arith.index_cast %parallel_loop3A_211 : i32 to index
          %parallel_loop3A_217 = arith.constant 0 : index
          %parallel_loop3A_218 = tpu.vector_load %parallel_loop3A_215[%parallel_loop3A_216, %parallel_loop3A_217] {strides = array<i32>} : memref<128x128xi32, #tpu.memory_space<vmem>>, vector<16xi32>,
          %parallel_loop3A_219 = arith.constant 18 : i32
          %parallel_loop3A_220 = vector.broadcast %parallel_loop3A_219 : i32 to vector<16xi32>
          %parallel_loop3A_221 = arith.shrsi %parallel_loop3A_218, %parallel_loop3A_220 : vector<16xi32>
          %parallel_loop3A_222 = arith.cmpi eq, %parallel_loop3A_221, %get3A_4 : vector<16xi32>
          %parallel_loop3A_223 = arith.constant 3 : i32
          %parallel_loop3A_224 = vector.broadcast %parallel_loop3A_223 : i32 to vector<16xi32>
          %parallel_loop3A_225 = arith.shrsi %parallel_loop3A_218, %parallel_loop3A_224 : vector<16xi32>
          %parallel_loop3A_226 = arith.constant 32767 : i32
          %parallel_loop3A_227 = vector.broadcast %parallel_loop3A_226 : i32 to vector<16xi32>
          %parallel_loop3A_228 = arith.andi %parallel_loop3A_225, %parallel_loop3A_227 : vector<16xi32>
          tpu.vector_store_idx %arg5[%parallel_loop3A_228], %broadcast_in_dim3A_3 masked %parallel_loop3A_222 {add = true} : memref<32768xi32, #tpu.memory_space<vmem>>[vector<16xi32>], vector<16xi32>, vector<16xi1>
          %parallel_loop3A_229 = arith.constant 0 : i32
          %parallel_loop3A_230 = arith.constant 0 : i32
          %parallel_loop3A_231 = tpu.memref_slice %run_scoped3A[%rem3A_166, %parallel_loop3A_229, %parallel_loop3A_230] : memref<2x128x128xi32, #tpu.memory_space<vmem>> -> memref<1x128x128xi32, #tpu.memory_space<vmem>>
          %parallel_loop3A_232 = tpu.memref_squeeze %parallel_loop3A_231 : memref<1x128x128xi32, #tpu.memory_space<vmem>> -> memref<128x128xi32, #tpu.memory_space<vmem>>
          %parallel_loop3A_233 = arith.index_cast %parallel_loop3A_211 : i32 to index
          %parallel_loop3A_234 = arith.constant 16 : index
          %parallel_loop3A_235 = tpu.vector_load %parallel_loop3A_232[%parallel_loop3A_233, %parallel_loop3A_234] {strides = array<i32>} : memref<128x128xi32, #tpu.memory_space<vmem>>, vector<16xi32>,
          %parallel_loop3A_236 = arith.constant 18 : i32
          %parallel_loop3A_237 = vector.broadcast %parallel_loop3A_236 : i32 to vector<16xi32>
          %parallel_loop3A_238 = arith.shrsi %parallel_loop3A_235, %parallel_loop3A_237 : vector<16xi32>
          %parallel_loop3A_239 = arith.cmpi eq, %parallel_loop3A_238, %get3A_4 : vector<16xi32>
          %parallel_loop3A_240 = arith.constant 3 : i32
          %parallel_loop3A_241 = vector.broadcast %parallel_loop3A_240 : i32 to vector<16xi32>
          %parallel_loop3A_242 = arith.shrsi %parallel_loop3A_235, %parallel_loop3A_241 : vector<16xi32>
          %parallel_loop3A_243 = arith.constant 32767 : i32
          %parallel_loop3A_244 = vector.broadcast %parallel_loop3A_243 : i32 to vector<16xi32>
          %parallel_loop3A_245 = arith.andi %parallel_loop3A_242, %parallel_loop3A_244 : vector<16xi32>
          tpu.vector_store_idx %arg5[%parallel_loop3A_245], %broadcast_in_dim3A_3 masked %parallel_loop3A_239 {add = true} : memref<32768xi32, #tpu.memory_space<vmem>>[vector<16xi32>], vector<16xi32>, vector<16xi1>
          %parallel_loop3A_246 = arith.constant 0 : i32
          %parallel_loop3A_247 = arith.constant 0 : i32
          %parallel_loop3A_248 = tpu.memref_slice %run_scoped3A[%rem3A_166, %parallel_loop3A_246, %parallel_loop3A_247] : memref<2x128x128xi32, #tpu.memory_space<vmem>> -> memref<1x128x128xi32, #tpu.memory_space<vmem>>
          %parallel_loop3A_249 = tpu.memref_squeeze %parallel_loop3A_248 : memref<1x128x128xi32, #tpu.memory_space<vmem>> -> memref<128x128xi32, #tpu.memory_space<vmem>>
          %parallel_loop3A_250 = arith.index_cast %parallel_loop3A_211 : i32 to index
          %parallel_loop3A_251 = arith.constant 32 : index
          %parallel_loop3A_252 = tpu.vector_load %parallel_loop3A_249[%parallel_loop3A_250, %parallel_loop3A_251] {strides = array<i32>} : memref<128x128xi32, #tpu.memory_space<vmem>>, vector<16xi32>,
          %parallel_loop3A_253 = arith.constant 18 : i32
          %parallel_loop3A_254 = vector.broadcast %parallel_loop3A_253 : i32 to vector<16xi32>
          %parallel_loop3A_255 = arith.shrsi %parallel_loop3A_252, %parallel_loop3A_254 : vector<16xi32>
          %parallel_loop3A_256 = arith.cmpi eq, %parallel_loop3A_255, %get3A_4 : vector<16xi32>
          %parallel_loop3A_257 = arith.constant 3 : i32
          %parallel_loop3A_258 = vector.broadcast %parallel_loop3A_257 : i32 to vector<16xi32>
          %parallel_loop3A_259 = arith.shrsi %parallel_loop3A_252, %parallel_loop3A_258 : vector<16xi32>
          %parallel_loop3A_260 = arith.constant 32767 : i32
          %parallel_loop3A_261 = vector.broadcast %parallel_loop3A_260 : i32 to vector<16xi32>
          %parallel_loop3A_262 = arith.andi %parallel_loop3A_259, %parallel_loop3A_261 : vector<16xi32>
          tpu.vector_store_idx %arg5[%parallel_loop3A_262], %broadcast_in_dim3A_3 masked %parallel_loop3A_256 {add = true} : memref<32768xi32, #tpu.memory_space<vmem>>[vector<16xi32>], vector<16xi32>, vector<16xi1>
          %parallel_loop3A_263 = arith.constant 0 : i32
          %parallel_loop3A_264 = arith.constant 0 : i32
          %parallel_loop3A_265 = tpu.memref_slice %run_scoped3A[%rem3A_166, %parallel_loop3A_263, %parallel_loop3A_264] : memref<2x128x128xi32, #tpu.memory_space<vmem>> -> memref<1x128x128xi32, #tpu.memory_space<vmem>>
          %parallel_loop3A_266 = tpu.memref_squeeze %parallel_loop3A_265 : memref<1x128x128xi32, #tpu.memory_space<vmem>> -> memref<128x128xi32, #tpu.memory_space<vmem>>
          %parallel_loop3A_267 = arith.index_cast %parallel_loop3A_211 : i32 to index
          %parallel_loop3A_268 = arith.constant 48 : index
          %parallel_loop3A_269 = tpu.vector_load %parallel_loop3A_266[%parallel_loop3A_267, %parallel_loop3A_268] {strides = array<i32>} : memref<128x128xi32, #tpu.memory_space<vmem>>, vector<16xi32>,
          %parallel_loop3A_270 = arith.constant 18 : i32
          %parallel_loop3A_271 = vector.broadcast %parallel_loop3A_270 : i32 to vector<16xi32>
          %parallel_loop3A_272 = arith.shrsi %parallel_loop3A_269, %parallel_loop3A_271 : vector<16xi32>
          %parallel_loop3A_273 = arith.cmpi eq, %parallel_loop3A_272, %get3A_4 : vector<16xi32>
          %parallel_loop3A_274 = arith.constant 3 : i32
          %parallel_loop3A_275 = vector.broadcast %parallel_loop3A_274 : i32 to vector<16xi32>
          %parallel_loop3A_276 = arith.shrsi %parallel_loop3A_269, %parallel_loop3A_275 : vector<16xi32>
          %parallel_loop3A_277 = arith.constant 32767 : i32
          %parallel_loop3A_278 = vector.broadcast %parallel_loop3A_277 : i32 to vector<16xi32>
          %parallel_loop3A_279 = arith.andi %parallel_loop3A_276, %parallel_loop3A_278 : vector<16xi32>
          tpu.vector_store_idx %arg5[%parallel_loop3A_279], %broadcast_in_dim3A_3 masked %parallel_loop3A_273 {add = true} : memref<32768xi32, #tpu.memory_space<vmem>>[vector<16xi32>], vector<16xi32>, vector<16xi1>
          %parallel_loop3A_280 = arith.constant 0 : i32
          %parallel_loop3A_281 = arith.constant 0 : i32
          %parallel_loop3A_282 = tpu.memref_slice %run_scoped3A[%rem3A_166, %parallel_loop3A_280, %parallel_loop3A_281] : memref<2x128x128xi32, #tpu.memory_space<vmem>> -> memref<1x128x128xi32, #tpu.memory_space<vmem>>
          %parallel_loop3A_283 = tpu.memref_squeeze %parallel_loop3A_282 : memref<1x128x128xi32, #tpu.memory_space<vmem>> -> memref<128x128xi32, #tpu.memory_space<vmem>>
          %parallel_loop3A_284 = arith.index_cast %parallel_loop3A_211 : i32 to index
          %parallel_loop3A_285 = arith.constant 64 : index
          %parallel_loop3A_286 = tpu.vector_load %parallel_loop3A_283[%parallel_loop3A_284, %parallel_loop3A_285] {strides = array<i32>} : memref<128x128xi32, #tpu.memory_space<vmem>>, vector<16xi32>,
          %parallel_loop3A_287 = arith.constant 18 : i32
          %parallel_loop3A_288 = vector.broadcast %parallel_loop3A_287 : i32 to vector<16xi32>
          %parallel_loop3A_289 = arith.shrsi %parallel_loop3A_286, %parallel_loop3A_288 : vector<16xi32>
          %parallel_loop3A_290 = arith.cmpi eq, %parallel_loop3A_289, %get3A_4 : vector<16xi32>
          %parallel_loop3A_291 = arith.constant 3 : i32
          %parallel_loop3A_292 = vector.broadcast %parallel_loop3A_291 : i32 to vector<16xi32>
          %parallel_loop3A_293 = arith.shrsi %parallel_loop3A_286, %parallel_loop3A_292 : vector<16xi32>
          %parallel_loop3A_294 = arith.constant 32767 : i32
          %parallel_loop3A_295 = vector.broadcast %parallel_loop3A_294 : i32 to vector<16xi32>
          %parallel_loop3A_296 = arith.andi %parallel_loop3A_293, %parallel_loop3A_295 : vector<16xi32>
          tpu.vector_store_idx %arg5[%parallel_loop3A_296], %broadcast_in_dim3A_3 masked %parallel_loop3A_290 {add = true} : memref<32768xi32, #tpu.memory_space<vmem>>[vector<16xi32>], vector<16xi32>, vector<16xi1>
          %parallel_loop3A_297 = arith.constant 0 : i32
          %parallel_loop3A_298 = arith.constant 0 : i32
          %parallel_loop3A_299 = tpu.memref_slice %run_scoped3A[%rem3A_166, %parallel_loop3A_297, %parallel_loop3A_298] : memref<2x128x128xi32, #tpu.memory_space<vmem>> -> memref<1x128x128xi32, #tpu.memory_space<vmem>>
          %parallel_loop3A_300 = tpu.memref_squeeze %parallel_loop3A_299 : memref<1x128x128xi32, #tpu.memory_space<vmem>> -> memref<128x128xi32, #tpu.memory_space<vmem>>
          %parallel_loop3A_301 = arith.index_cast %parallel_loop3A_211 : i32 to index
          %parallel_loop3A_302 = arith.constant 80 : index
          %parallel_loop3A_303 = tpu.vector_load %parallel_loop3A_300[%parallel_loop3A_301, %parallel_loop3A_302] {strides = array<i32>} : memref<128x128xi32, #tpu.memory_space<vmem>>, vector<16xi32>,
          %parallel_loop3A_304 = arith.constant 18 : i32
          %parallel_loop3A_305 = vector.broadcast %parallel_loop3A_304 : i32 to vector<16xi32>
          %parallel_loop3A_306 = arith.shrsi %parallel_loop3A_303, %parallel_loop3A_305 : vector<16xi32>
          %parallel_loop3A_307 = arith.cmpi eq, %parallel_loop3A_306, %get3A_4 : vector<16xi32>
          %parallel_loop3A_308 = arith.constant 3 : i32
          %parallel_loop3A_309 = vector.broadcast %parallel_loop3A_308 : i32 to vector<16xi32>
          %parallel_loop3A_310 = arith.shrsi %parallel_loop3A_303, %parallel_loop3A_309 : vector<16xi32>
          %parallel_loop3A_311 = arith.constant 32767 : i32
          %parallel_loop3A_312 = vector.broadcast %parallel_loop3A_311 : i32 to vector<16xi32>
          %parallel_loop3A_313 = arith.andi %parallel_loop3A_310, %parallel_loop3A_312 : vector<16xi32>
          tpu.vector_store_idx %arg5[%parallel_loop3A_313], %broadcast_in_dim3A_3 masked %parallel_loop3A_307 {add = true} : memref<32768xi32, #tpu.memory_space<vmem>>[vector<16xi32>], vector<16xi32>, vector<16xi1>
          %parallel_loop3A_314 = arith.constant 0 : i32
          %parallel_loop3A_315 = arith.constant 0 : i32
          %parallel_loop3A_316 = tpu.memref_slice %run_scoped3A[%rem3A_166, %parallel_loop3A_314, %parallel_loop3A_315] : memref<2x128x128xi32, #tpu.memory_space<vmem>> -> memref<1x128x128xi32, #tpu.memory_space<vmem>>
          %parallel_loop3A_317 = tpu.memref_squeeze %parallel_loop3A_316 : memref<1x128x128xi32, #tpu.memory_space<vmem>> -> memref<128x128xi32, #tpu.memory_space<vmem>>
          %parallel_loop3A_318 = arith.index_cast %parallel_loop3A_211 : i32 to index
          %parallel_loop3A_319 = arith.constant 96 : index
          %parallel_loop3A_320 = tpu.vector_load %parallel_loop3A_317[%parallel_loop3A_318, %parallel_loop3A_319] {strides = array<i32>} : memref<128x128xi32, #tpu.memory_space<vmem>>, vector<16xi32>,
          %parallel_loop3A_321 = arith.constant 18 : i32
          %parallel_loop3A_322 = vector.broadcast %parallel_loop3A_321 : i32 to vector<16xi32>
          %parallel_loop3A_323 = arith.shrsi %parallel_loop3A_320, %parallel_loop3A_322 : vector<16xi32>
          %parallel_loop3A_324 = arith.cmpi eq, %parallel_loop3A_323, %get3A_4 : vector<16xi32>
          %parallel_loop3A_325 = arith.constant 3 : i32
          %parallel_loop3A_326 = vector.broadcast %parallel_loop3A_325 : i32 to vector<16xi32>
          %parallel_loop3A_327 = arith.shrsi %parallel_loop3A_320, %parallel_loop3A_326 : vector<16xi32>
          %parallel_loop3A_328 = arith.constant 32767 : i32
          %parallel_loop3A_329 = vector.broadcast %parallel_loop3A_328 : i32 to vector<16xi32>
          %parallel_loop3A_330 = arith.andi %parallel_loop3A_327, %parallel_loop3A_329 : vector<16xi32>
          tpu.vector_store_idx %arg5[%parallel_loop3A_330], %broadcast_in_dim3A_3 masked %parallel_loop3A_324 {add = true} : memref<32768xi32, #tpu.memory_space<vmem>>[vector<16xi32>], vector<16xi32>, vector<16xi1>
          %parallel_loop3A_331 = arith.constant 0 : i32
          %parallel_loop3A_332 = arith.constant 0 : i32
          %parallel_loop3A_333 = tpu.memref_slice %run_scoped3A[%rem3A_166, %parallel_loop3A_331, %parallel_loop3A_332] : memref<2x128x128xi32, #tpu.memory_space<vmem>> -> memref<1x128x128xi32, #tpu.memory_space<vmem>>
          %parallel_loop3A_334 = tpu.memref_squeeze %parallel_loop3A_333 : memref<1x128x128xi32, #tpu.memory_space<vmem>> -> memref<128x128xi32, #tpu.memory_space<vmem>>
          %parallel_loop3A_335 = arith.index_cast %parallel_loop3A_211 : i32 to index
          %parallel_loop3A_336 = arith.constant 112 : index
          %parallel_loop3A_337 = tpu.vector_load %parallel_loop3A_334[%parallel_loop3A_335, %parallel_loop3A_336] {strides = array<i32>} : memref<128x128xi32, #tpu.memory_space<vmem>>, vector<16xi32>,
          %parallel_loop3A_338 = arith.constant 18 : i32
          %parallel_loop3A_339 = vector.broadcast %parallel_loop3A_338 : i32 to vector<16xi32>
          %parallel_loop3A_340 = arith.shrsi %parallel_loop3A_337, %parallel_loop3A_339 : vector<16xi32>
          %parallel_loop3A_341 = arith.cmpi eq, %parallel_loop3A_340, %get3A_4 : vector<16xi32>
          %parallel_loop3A_342 = arith.constant 3 : i32
          %parallel_loop3A_343 = vector.broadcast %parallel_loop3A_342 : i32 to vector<16xi32>
          %parallel_loop3A_344 = arith.shrsi %parallel_loop3A_337, %parallel_loop3A_343 : vector<16xi32>
          %parallel_loop3A_345 = arith.constant 32767 : i32
          %parallel_loop3A_346 = vector.broadcast %parallel_loop3A_345 : i32 to vector<16xi32>
          %parallel_loop3A_347 = arith.andi %parallel_loop3A_344, %parallel_loop3A_346 : vector<16xi32>
          tpu.vector_store_idx %arg5[%parallel_loop3A_347], %broadcast_in_dim3A_3 masked %parallel_loop3A_341 {add = true} : memref<32768xi32, #tpu.memory_space<vmem>>[vector<16xi32>], vector<16xi32>, vector<16xi1>
        } {sc.loop_unroll_factor = 2 : i64, sc.parallel_access}
        "tpu.trace_stop"() : () -> ()
        %ne3A_170 = arith.cmpi ne, %add3A_117, %add3A_135 : i32
        %or3A_171 = arith.constant false
        %or3A_172 = arith.ori %or3A_171, %ne3A_170 : i1
        %or3A_173 = arith.constant false
        %or3A_174 = arith.ori %or3A_172, %or3A_173 : i1
        %or3A_175 = arith.ori %or3A_174, %eq3A_116 : i1
        %convert_element_type3A_176 = arith.extui %or3A_175 : i1 to i32
        %cond3A_177 = arith.constant 0 : i32
        %cond3A_178 = arith.cmpi ne, %convert_element_type3A_176, %cond3A_177 : i32
        scf.if %cond3A_178 {
        } else {
        }
        %and3A_179 = arith.constant false
        %and3A_180 = arith.andi %or3A_175, %and3A_179 : i1
        %ne3A_181 = arith.cmpi ne, %add3A_117, %add3A_126 : i32
        %or3A_182 = arith.constant false
        %or3A_183 = arith.ori %or3A_182, %ne3A_181 : i1
        %or3A_184 = arith.constant false
        %or3A_185 = arith.ori %or3A_183, %or3A_184 : i1
        %not3A_186 = arith.constant true
        %not3A_187 = arith.xori %eq3A_114, %not3A_186 : i1
        %and3A_188 = arith.andi %or3A_185, %not3A_187 : i1
        %convert_element_type3A_189 = arith.extui %and3A_188 : i1 to i32
        %cond3A_190 = arith.constant 0 : i32
        %cond3A_191 = arith.cmpi ne, %convert_element_type3A_189, %cond3A_190 : i32
        scf.if %cond3A_191 {
        } else {
        }
        %and3A_192 = arith.constant false
        %and3A_193 = arith.andi %and3A_188, %and3A_192 : i1
        %ne3A_194 = arith.cmpi ne, %add3A_117, %add3A_135 : i32
        %or3A_195 = arith.constant false
        %or3A_196 = arith.ori %or3A_195, %ne3A_194 : i1
        %or3A_197 = arith.constant false
        %or3A_198 = arith.ori %or3A_196, %or3A_197 : i1
        %or3A_199 = arith.ori %or3A_198, %eq3A_116 : i1
        %add3A_200 = arith.constant 1 : i32
        %add3A_201 = arith.addi %scan3A_111, %add3A_200 : i32
        %select_n3A_202 = arith.select %or3A_199, %add3A_201, %scan3A_111 : i32
        %add3A_203 = arith.constant 1 : i32
        %add3A_204 = arith.addi %scan3A_112, %add3A_203 : i32
        %select_n3A_205 = arith.constant true
        %select_n3A_206 = arith.select %select_n3A_205, %add3A_204, %scan3A_112 : i32
        %eq3A_207 = arith.constant 4 : i32
        %eq3A_208 = arith.cmpi eq, %select_n3A_206, %eq3A_207 : i32
        %select_n3A_209 = arith.constant 0 : i32
        %select_n3A_210 = arith.select %eq3A_208, %select_n3A_209, %select_n3A_206 : i32
        scf.yield %select_n3A_155, %select_n3A_202, %select_n3A_210 : i32, i32, i32
      }
      %scan3A_73 = arith.constant 4 : i32
      %sub3A = arith.constant 1 : i32
      %sub3A_74 = arith.subi %scan3A_72#2, %sub3A : i32
      %select_n3A_75 = arith.constant true
      %select_n3A_76 = arith.select %select_n3A_75, %sub3A_74, %scan3A_72#2 : i32
      %eq3A_77 = arith.constant -1 : i32
      %eq3A_78 = arith.cmpi eq, %select_n3A_76, %eq3A_77 : i32
      %select_n3A_79 = arith.constant 3 : i32
      %select_n3A_80 = arith.select %eq3A_78, %select_n3A_79, %select_n3A_76 : i32
      %add3A_81 = arith.addi %select_n3A_80, %mul3A_13 : i32
      %sub3A_82 = arith.constant 1 : i32
      %sub3A_83 = arith.subi %select_n3A_80, %sub3A_82 : i32
      %select_n3A_84 = arith.constant true
      %select_n3A_85 = arith.select %select_n3A_84, %sub3A_83, %select_n3A_80 : i32
      %eq3A_86 = arith.constant -1 : i32
      %eq3A_87 = arith.cmpi eq, %select_n3A_85, %eq3A_86 : i32
      %select_n3A_88 = arith.constant 3 : i32
      %select_n3A_89 = arith.select %eq3A_87, %select_n3A_88, %select_n3A_85 : i32
      %add3A_90 = arith.addi %select_n3A_89, %mul3A_13 : i32
      %add3A_91 = arith.constant 1 : i32
      %add3A_92 = arith.addi %select_n3A_80, %add3A_91 : i32
      %select_n3A_93 = arith.constant true
      %select_n3A_94 = arith.select %select_n3A_93, %add3A_92, %select_n3A_80 : i32
      %eq3A_95 = arith.constant 4 : i32
      %eq3A_96 = arith.cmpi eq, %select_n3A_94, %eq3A_95 : i32
      %select_n3A_97 = arith.constant 0 : i32
      %select_n3A_98 = arith.select %eq3A_96, %select_n3A_97, %select_n3A_94 : i32
      %add3A_99 = arith.addi %select_n3A_98, %mul3A_13 : i32
      %add3A_100 = arith.constant 1 : i32
      %add3A_101 = arith.addi %select_n3A_98, %add3A_100 : i32
      %select_n3A_102 = arith.constant true
      %select_n3A_103 = arith.select %select_n3A_102, %add3A_101, %select_n3A_98 : i32
      %eq3A_104 = arith.constant 4 : i32
      %eq3A_105 = arith.cmpi eq, %select_n3A_103, %eq3A_104 : i32
      %select_n3A_106 = arith.constant 0 : i32
      %select_n3A_107 = arith.select %eq3A_105, %select_n3A_106, %select_n3A_103 : i32
      %add3A_108 = arith.addi %select_n3A_107, %mul3A_13 : i32
      tpu.yield
    }) : () -> ()
    %mul3A_14 = arith.constant 32768 : i32
    %mul3A_15 = arith.muli %add3A, %mul3A_14 : i32
    "tpu.region"() ({
      %run_scoped3A = tpu.sem_alloc : memref<!tpu.dma_semaphore, #tpu.memory_space<semaphore_mem>>
      %dma_start3A = tpu.memref_slice %arg4[%mul3A_15] : memref<1048576xi32, #tpu.memory_space<hbm>> -> memref<32768xi32, #tpu.memory_space<hbm>>
      %dma_start3A_16 = tpu.memref_slice %arg4[%mul3A_15] : memref<1048576xi32, #tpu.memory_space<hbm>> -> memref<32768xi32, #tpu.memory_space<hbm>>
      tpu.enqueue_dma source(%arg5 : memref<32768xi32, #tpu.memory_space<vmem>>) target(%dma_start3A_16 : memref<32768xi32, #tpu.memory_space<hbm>>) target_semaphore(%run_scoped3A : memref<!tpu.dma_semaphore, #tpu.memory_space<semaphore_mem>>)
      %dma_wait3A = tpu.memref_slice %arg4[%mul3A_15] : memref<1048576xi32, #tpu.memory_space<hbm>> -> memref<32768xi32, #tpu.memory_space<hbm>>
      %dma_wait3A_17 = tpu.memref_slice %arg4[%mul3A_15] : memref<1048576xi32, #tpu.memory_space<hbm>> -> memref<32768xi32, #tpu.memory_space<hbm>>
      tpu.wait_dma2 semaphore(%run_scoped3A : memref<!tpu.dma_semaphore, #tpu.memory_space<semaphore_mem>>) src(%arg5 : memref<32768xi32, #tpu.memory_space<vmem>>) dst(%dma_wait3A_17 : memref<32768xi32, #tpu.memory_space<hbm>>)
      tpu.yield
    }) : () -> ()
    return
  }
}

module attributes {stable_mosaic.version = 14 : i64} {
  func.func @_find_bucket1_body(%arg0: memref<2048x128xi32, #tpu.memory_space<vmem>>, %arg1: memref<1x2xi32, #tpu.memory_space<smem>>, %arg2: memref<16xi32, #tpu.memory_space<smem>>) attributes {dimension_semantics = [], scalar_prefetch = 0 : i64, scratch_operands = 0 : i64, tpu.core_type = #tpu.core_type<tc>} {
    %broadcast_in_dim3A = arith.constant 0 : i32
    %broadcast_in_dim3A_0 = vector.broadcast %broadcast_in_dim3A : i32 to vector<64x128xi32>
    %scan3A = arith.constant 0 : i32
    %scan3A_1 = arith.constant 32 : i32
    %scan3A_2 = arith.addi %scan3A, %scan3A_1 : i32
    %scan3A_3 = arith.constant 1 : i32
    %scan3A_4 = scf.for %scan3A_54 = %scan3A to %scan3A_2 step %scan3A_3 iter_args(%scan3A_55 = %broadcast_in_dim3A_0) -> (vector<64x128xi32>)  : i32 {
      %mul3A_56 = arith.constant 64 : i32
      %mul3A_57 = arith.muli %scan3A_54, %mul3A_56 : i32
      %get3A = arith.index_cast %mul3A_57 : i32 to index
      %get3A_58 = arith.constant 0 : index
      %get3A_59 = vector.load %arg0[%get3A, %get3A_58] : memref<2048x128xi32, #tpu.memory_space<vmem>>, vector<64x128xi32>
      %add3A_60 = arith.addi %scan3A_55, %get3A_59 : vector<64x128xi32>
      scf.yield %add3A_60 : vector<64x128xi32>
    }
    %scan3A_5 = arith.constant 32 : i32
    %iota3A = tpu.iota {dimensions = array<i32: 0>} : vector<64x128xi32>
    %mul3A = arith.constant 128 : i32
    %mul3A_6 = vector.broadcast %mul3A : i32 to vector<64x128xi32>
    %mul3A_7 = arith.muli %iota3A, %mul3A_6 : vector<64x128xi32>
    %iota3A_8 = tpu.iota {dimensions = array<i32: 1>} : vector<64x128xi32>
    %add3A = arith.addi %mul3A_7, %iota3A_8 : vector<64x128xi32>
    %scan3A_9 = arith.constant -1 : i32
    %scan3A_10 = arith.constant 8192 : i32
    %scan3A_11 = arith.constant 0 : i32
    %scan3A_12 = arith.constant 0 : i32
    %scan3A_13 = arith.constant 14 : i32
    %scan3A_14 = arith.addi %scan3A_12, %scan3A_13 : i32
    %scan3A_15 = arith.constant 1 : i32
    %scan3A_16:3 = scf.for %scan3A_54 = %scan3A_12 to %scan3A_14 step %scan3A_15 iter_args(%scan3A_55 = %scan3A_9, %scan3A_56 = %scan3A_10, %scan3A_57 = %scan3A_11) -> (i32, i32, i32)  : i32 {
      %sub3A = arith.subi %scan3A_56, %scan3A_55 : i32
      %jit3A = arith.constant 2 : i32
      %div3A = arith.divsi %sub3A, %jit3A : i32
      %sign3A = arith.constant 0 : i32
      %sign3A_58 = arith.cmpi sgt, %sub3A, %sign3A : i32
      %sign3A_59 = arith.extui %sign3A_58 : i1 to i32
      %sign3A_60 = arith.constant 0 : i32
      %sign3A_61 = arith.cmpi slt, %sub3A, %sign3A_60 : i32
      %sign3A_62 = arith.extui %sign3A_61 : i1 to i32
      %sign3A_63 = arith.subi %sign3A_59, %sign3A_62 : i32
      %sign3A_64 = arith.constant 0 : i32
      %sign3A_65 = arith.cmpi sgt, %jit3A, %sign3A_64 : i32
      %sign3A_66 = arith.extui %sign3A_65 : i1 to i32
      %sign3A_67 = arith.constant 0 : i32
      %sign3A_68 = arith.cmpi slt, %jit3A, %sign3A_67 : i32
      %sign3A_69 = arith.extui %sign3A_68 : i1 to i32
      %sign3A_70 = arith.subi %sign3A_66, %sign3A_69 : i32
      %ne3A = arith.cmpi ne, %sign3A_63, %sign3A_70 : i32
      %rem3A = arith.remsi %sub3A, %jit3A : i32
      %ne3A_71 = arith.constant 0 : i32
      %ne3A_72 = arith.cmpi ne, %rem3A, %ne3A_71 : i32
      %and3A = arith.andi %ne3A, %ne3A_72 : i1
      %sub3A_73 = arith.constant 1 : i32
      %sub3A_74 = arith.subi %div3A, %sub3A_73 : i32
      %select_n3A = arith.select %and3A, %sub3A_74, %div3A : i32
      %add3A_75 = arith.addi %scan3A_55, %select_n3A : i32
      %gt3A = vector.broadcast %add3A_75 : i32 to vector<64x128xi32>
      %gt3A_76 = arith.cmpi sgt, %add3A, %gt3A : vector<64x128xi32>
      %jit3A_77 = arith.constant 0 : i32
      %broadcast_in_dim3A_78 = vector.broadcast %jit3A_77 : i32 to vector<64x128xi32>
      %select_n3A_79 = arith.select %gt3A_76, %scan3A_4, %broadcast_in_dim3A_78 : vector<64x128xi1>, vector<64x128xi32>
      %reduce_sum3A = vector.shape_cast %select_n3A_79 : vector<64x128xi32> to vector<1x64x128xi32>
      %reduce_sum3A_80 = arith.constant dense<0> : vector<1xi32>
      %reduce_sum3A_81 = vector.multi_reduction <add>, %reduce_sum3A, %reduce_sum3A_80 [1, 2] : vector<1x64x128xi32> to vector<1xi32>
      %reduce_sum3A_82 = vector.shape_cast %reduce_sum3A_81 : vector<1xi32> to vector<1x1x1xi32>
      %reduce_sum3A_83 = vector.extract %reduce_sum3A_82[0, 0, 0] : i32 from vector<1x1x1xi32>
      %ge3A = arith.constant 524288 : i32
      %ge3A_84 = arith.cmpi sge, %reduce_sum3A_83, %ge3A : i32
      %select_n3A_85 = arith.select %ge3A_84, %add3A_75, %scan3A_55 : i32
      %select_n3A_86 = arith.select %ge3A_84, %scan3A_56, %add3A_75 : i32
      %select_n3A_87 = arith.select %ge3A_84, %scan3A_57, %reduce_sum3A_83 : i32
      scf.yield %select_n3A_85, %select_n3A_86, %select_n3A_87 : i32, i32, i32
    }
    %swap3A = arith.constant 0 : index
    %swap3A_17 = arith.constant 0 : index
    %swap3A_18 = memref.load %arg1[%swap3A, %swap3A_17] : memref<1x2xi32, #tpu.memory_space<smem>>
    memref.store %scan3A_16#1, %arg1[%swap3A, %swap3A_17] : memref<1x2xi32, #tpu.memory_space<smem>>
    %swap3A_19 = arith.constant 0 : index
    %swap3A_20 = arith.constant 1 : index
    %swap3A_21 = memref.load %arg1[%swap3A_19, %swap3A_20] : memref<1x2xi32, #tpu.memory_space<smem>>
    memref.store %scan3A_16#2, %arg1[%swap3A_19, %swap3A_20] : memref<1x2xi32, #tpu.memory_space<smem>>
    %swap3A_22 = arith.constant 0 : index
    %swap3A_23 = memref.load %arg2[%swap3A_22] : memref<16xi32, #tpu.memory_space<smem>>
    memref.store %scan3A_16#1, %arg2[%swap3A_22] : memref<16xi32, #tpu.memory_space<smem>>
    %swap3A_24 = arith.constant 1 : index
    %swap3A_25 = memref.load %arg2[%swap3A_24] : memref<16xi32, #tpu.memory_space<smem>>
    memref.store %scan3A_16#1, %arg2[%swap3A_24] : memref<16xi32, #tpu.memory_space<smem>>
    %swap3A_26 = arith.constant 2 : index
    %swap3A_27 = memref.load %arg2[%swap3A_26] : memref<16xi32, #tpu.memory_space<smem>>
    memref.store %scan3A_16#1, %arg2[%swap3A_26] : memref<16xi32, #tpu.memory_space<smem>>
    %swap3A_28 = arith.constant 3 : index
    %swap3A_29 = memref.load %arg2[%swap3A_28] : memref<16xi32, #tpu.memory_space<smem>>
    memref.store %scan3A_16#1, %arg2[%swap3A_28] : memref<16xi32, #tpu.memory_space<smem>>
    %swap3A_30 = arith.constant 4 : index
    %swap3A_31 = memref.load %arg2[%swap3A_30] : memref<16xi32, #tpu.memory_space<smem>>
    memref.store %scan3A_16#1, %arg2[%swap3A_30] : memref<16xi32, #tpu.memory_space<smem>>
    %swap3A_32 = arith.constant 5 : index
    %swap3A_33 = memref.load %arg2[%swap3A_32] : memref<16xi32, #tpu.memory_space<smem>>
    memref.store %scan3A_16#1, %arg2[%swap3A_32] : memref<16xi32, #tpu.memory_space<smem>>
    %swap3A_34 = arith.constant 6 : index
    %swap3A_35 = memref.load %arg2[%swap3A_34] : memref<16xi32, #tpu.memory_space<smem>>
    memref.store %scan3A_16#1, %arg2[%swap3A_34] : memref<16xi32, #tpu.memory_space<smem>>
    %swap3A_36 = arith.constant 7 : index
    %swap3A_37 = memref.load %arg2[%swap3A_36] : memref<16xi32, #tpu.memory_space<smem>>
    memref.store %scan3A_16#1, %arg2[%swap3A_36] : memref<16xi32, #tpu.memory_space<smem>>
    %swap3A_38 = arith.constant 8 : index
    %swap3A_39 = memref.load %arg2[%swap3A_38] : memref<16xi32, #tpu.memory_space<smem>>
    memref.store %scan3A_16#1, %arg2[%swap3A_38] : memref<16xi32, #tpu.memory_space<smem>>
    %swap3A_40 = arith.constant 9 : index
    %swap3A_41 = memref.load %arg2[%swap3A_40] : memref<16xi32, #tpu.memory_space<smem>>
    memref.store %scan3A_16#1, %arg2[%swap3A_40] : memref<16xi32, #tpu.memory_space<smem>>
    %swap3A_42 = arith.constant 10 : index
    %swap3A_43 = memref.load %arg2[%swap3A_42] : memref<16xi32, #tpu.memory_space<smem>>
    memref.store %scan3A_16#1, %arg2[%swap3A_42] : memref<16xi32, #tpu.memory_space<smem>>
    %swap3A_44 = arith.constant 11 : index
    %swap3A_45 = memref.load %arg2[%swap3A_44] : memref<16xi32, #tpu.memory_space<smem>>
    memref.store %scan3A_16#1, %arg2[%swap3A_44] : memref<16xi32, #tpu.memory_space<smem>>
    %swap3A_46 = arith.constant 12 : index
    %swap3A_47 = memref.load %arg2[%swap3A_46] : memref<16xi32, #tpu.memory_space<smem>>
    memref.store %scan3A_16#1, %arg2[%swap3A_46] : memref<16xi32, #tpu.memory_space<smem>>
    %swap3A_48 = arith.constant 13 : index
    %swap3A_49 = memref.load %arg2[%swap3A_48] : memref<16xi32, #tpu.memory_space<smem>>
    memref.store %scan3A_16#1, %arg2[%swap3A_48] : memref<16xi32, #tpu.memory_space<smem>>
    %swap3A_50 = arith.constant 14 : index
    %swap3A_51 = memref.load %arg2[%swap3A_50] : memref<16xi32, #tpu.memory_space<smem>>
    memref.store %scan3A_16#1, %arg2[%swap3A_50] : memref<16xi32, #tpu.memory_space<smem>>
    %swap3A_52 = arith.constant 15 : index
    %swap3A_53 = memref.load %arg2[%swap3A_52] : memref<16xi32, #tpu.memory_space<smem>>
    memref.store %scan3A_16#1, %arg2[%swap3A_52] : memref<16xi32, #tpu.memory_space<smem>>
    return
  }
}

module attributes {stable_mosaic.version = 14 : i64} {
  func.func @_loss_bits_body(%arg0: memref<16384x128xf32, #tpu.memory_space<vmem>>, %arg1: memref<16384x128xi32, #tpu.memory_space<vmem>>, %arg2: memref<16384x128xi32, #tpu.memory_space<vmem>>) attributes {dimension_semantics = [], scalar_prefetch = 0 : i64, scratch_operands = 0 : i64, tpu.core_type = #tpu.core_type<tc>} {
    %scan3A = arith.constant 0 : i32
    %scan3A_0 = arith.constant 16 : i32
    %scan3A_1 = arith.addi %scan3A, %scan3A_0 : i32
    %scan3A_2 = arith.constant 1 : i32
    scf.for %scan3A_4 = %scan3A to %scan3A_1 step %scan3A_2  : i32 {
      %mul3A = arith.constant 1024 : i32
      %mul3A_5 = arith.muli %scan3A_4, %mul3A : i32
      %get3A = arith.index_cast %mul3A_5 : i32 to index
      %get3A_6 = arith.constant 0 : index
      %get3A_7 = vector.load %arg0[%get3A, %get3A_6] : memref<16384x128xf32, #tpu.memory_space<vmem>>, vector<1024x128xf32>
      %get3A_8 = arith.index_cast %mul3A_5 : i32 to index
      %get3A_9 = arith.constant 0 : index
      %get3A_10 = vector.load %arg1[%get3A_8, %get3A_9] : memref<16384x128xi32, #tpu.memory_space<vmem>>, vector<1024x128xi32>
      %convert_element_type3A = arith.sitofp %get3A_10 : vector<1024x128xi32> to vector<1024x128xf32>
      %max3A = arith.constant 0.000000e+00 : f32
      %max3A_11 = vector.broadcast %max3A : f32 to vector<1024x128xf32>
      %max3A_12 = arith.maximumf %get3A_7, %max3A_11 : vector<1024x128xf32>
      %mul3A_13 = arith.mulf %get3A_7, %convert_element_type3A : vector<1024x128xf32>
      %sub3A = arith.subf %max3A_12, %mul3A_13 : vector<1024x128xf32>
      %abs3A = math.absf %get3A_7 : vector<1024x128xf32>
      %neg3A = arith.constant 0.000000e+00 : f32
      %neg3A_14 = vector.broadcast %neg3A : f32 to vector<1024x128xf32>
      %neg3A_15 = arith.subf %neg3A_14, %abs3A : vector<1024x128xf32>
      %exp3A = math.exp %neg3A_15 : vector<1024x128xf32>
      %log1p3A = math.log1p %exp3A : vector<1024x128xf32>
      %add3A = arith.addf %sub3A, %log1p3A : vector<1024x128xf32>
      %bitcast_convert_type3A = tpu.bitcast %add3A : vector<1024x128xf32> -> vector<1024x128xi32>
      %swap3A = arith.index_cast %mul3A_5 : i32 to index
      %swap3A_16 = arith.constant 0 : index
      %swap3A_17 = vector.load %arg2[%swap3A, %swap3A_16] : memref<16384x128xi32, #tpu.memory_space<vmem>>, vector<1024x128xi32>
      tpu.vector_store %arg2[%swap3A, %swap3A_16], %bitcast_convert_type3A {strides = array<i32>} : memref<16384x128xi32, #tpu.memory_space<vmem>>, vector<1024x128xi32>,
    }
    %scan3A_3 = arith.constant 16 : i32
    return
  }
}

module attributes {stable_mosaic.version = 14 : i64} {
  func.func @_finalize_body(%arg0: memref<8192x128xi32, #tpu.memory_space<vmem>>, %arg1: memref<16384x128xi32, #tpu.memory_space<vmem>>, %arg2: memref<1x2xi32, #tpu.memory_space<smem>>, %arg3: memref<1x1xf32, #tpu.memory_space<smem>>) attributes {dimension_semantics = [], scalar_prefetch = 0 : i64, scratch_operands = 0 : i64, tpu.core_type = #tpu.core_type<tc>} {
    %get3A = arith.constant 0 : index
    %get3A_0 = arith.constant 0 : index
    %get3A_1 = memref.load %arg2[%get3A, %get3A_0] : memref<1x2xi32, #tpu.memory_space<smem>>
    %get3A_2 = arith.constant 0 : index
    %get3A_3 = arith.constant 1 : index
    %get3A_4 = memref.load %arg2[%get3A_2, %get3A_3] : memref<1x2xi32, #tpu.memory_space<smem>>
    %broadcast_in_dim3A = arith.constant 0 : i32
    %broadcast_in_dim3A_5 = vector.broadcast %broadcast_in_dim3A : i32 to vector<256x128xi32>
    %scan3A = arith.constant 0 : i32
    %scan3A_6 = arith.constant 32 : i32
    %scan3A_7 = arith.addi %scan3A, %scan3A_6 : i32
    %scan3A_8 = arith.constant 1 : i32
    %scan3A_9 = scf.for %scan3A_43 = %scan3A to %scan3A_7 step %scan3A_8 iter_args(%scan3A_44 = %broadcast_in_dim3A_5) -> (vector<256x128xi32>)  : i32 {
      %mul3A_45 = arith.constant 256 : i32
      %mul3A_46 = arith.muli %scan3A_43, %mul3A_45 : i32
      %get3A_47 = arith.index_cast %mul3A_46 : i32 to index
      %get3A_48 = arith.constant 0 : index
      %get3A_49 = vector.load %arg0[%get3A_47, %get3A_48] : memref<8192x128xi32, #tpu.memory_space<vmem>>, vector<256x128xi32>
      %add3A_50 = arith.addi %scan3A_44, %get3A_49 : vector<256x128xi32>
      scf.yield %add3A_50 : vector<256x128xi32>
    }
    %scan3A_10 = arith.constant 32 : i32
    %iota3A = tpu.iota {dimensions = array<i32: 0>} : vector<256x128xi32>
    %mul3A = arith.constant 128 : i32
    %mul3A_11 = vector.broadcast %mul3A : i32 to vector<256x128xi32>
    %mul3A_12 = arith.muli %iota3A, %mul3A_11 : vector<256x128xi32>
    %iota3A_13 = tpu.iota {dimensions = array<i32: 1>} : vector<256x128xi32>
    %add3A = arith.addi %mul3A_12, %iota3A_13 : vector<256x128xi32>
    %sub3A = arith.constant 524288 : i32
    %sub3A_14 = arith.subi %sub3A, %get3A_4 : i32
    %scan3A_15 = arith.constant -1 : i32
    %scan3A_16 = arith.constant 32768 : i32
    %scan3A_17 = arith.constant 0 : i32
    %scan3A_18 = arith.constant 0 : i32
    %scan3A_19 = arith.constant 16 : i32
    %scan3A_20 = arith.addi %scan3A_18, %scan3A_19 : i32
    %scan3A_21 = arith.constant 1 : i32
    %scan3A_22:3 = scf.for %scan3A_43 = %scan3A_18 to %scan3A_20 step %scan3A_21 iter_args(%scan3A_44 = %scan3A_15, %scan3A_45 = %scan3A_16, %scan3A_46 = %scan3A_17) -> (i32, i32, i32)  : i32 {
      %sub3A_47 = arith.subi %scan3A_45, %scan3A_44 : i32
      %jit3A = arith.constant 2 : i32
      %div3A_48 = arith.divsi %sub3A_47, %jit3A : i32
      %sign3A = arith.constant 0 : i32
      %sign3A_49 = arith.cmpi sgt, %sub3A_47, %sign3A : i32
      %sign3A_50 = arith.extui %sign3A_49 : i1 to i32
      %sign3A_51 = arith.constant 0 : i32
      %sign3A_52 = arith.cmpi slt, %sub3A_47, %sign3A_51 : i32
      %sign3A_53 = arith.extui %sign3A_52 : i1 to i32
      %sign3A_54 = arith.subi %sign3A_50, %sign3A_53 : i32
      %sign3A_55 = arith.constant 0 : i32
      %sign3A_56 = arith.cmpi sgt, %jit3A, %sign3A_55 : i32
      %sign3A_57 = arith.extui %sign3A_56 : i1 to i32
      %sign3A_58 = arith.constant 0 : i32
      %sign3A_59 = arith.cmpi slt, %jit3A, %sign3A_58 : i32
      %sign3A_60 = arith.extui %sign3A_59 : i1 to i32
      %sign3A_61 = arith.subi %sign3A_57, %sign3A_60 : i32
      %ne3A = arith.cmpi ne, %sign3A_54, %sign3A_61 : i32
      %rem3A = arith.remsi %sub3A_47, %jit3A : i32
      %ne3A_62 = arith.constant 0 : i32
      %ne3A_63 = arith.cmpi ne, %rem3A, %ne3A_62 : i32
      %and3A = arith.andi %ne3A, %ne3A_63 : i1
      %sub3A_64 = arith.constant 1 : i32
      %sub3A_65 = arith.subi %div3A_48, %sub3A_64 : i32
      %select_n3A = arith.select %and3A, %sub3A_65, %div3A_48 : i32
      %add3A_66 = arith.addi %scan3A_44, %select_n3A : i32
      %gt3A = vector.broadcast %add3A_66 : i32 to vector<256x128xi32>
      %gt3A_67 = arith.cmpi sgt, %add3A, %gt3A : vector<256x128xi32>
      %jit3A_68 = arith.constant 0 : i32
      %broadcast_in_dim3A_69 = vector.broadcast %jit3A_68 : i32 to vector<256x128xi32>
      %select_n3A_70 = arith.select %gt3A_67, %scan3A_9, %broadcast_in_dim3A_69 : vector<256x128xi1>, vector<256x128xi32>
      %reduce_sum3A = vector.shape_cast %select_n3A_70 : vector<256x128xi32> to vector<1x256x128xi32>
      %reduce_sum3A_71 = arith.constant dense<0> : vector<1xi32>
      %reduce_sum3A_72 = vector.multi_reduction <add>, %reduce_sum3A, %reduce_sum3A_71 [1, 2] : vector<1x256x128xi32> to vector<1xi32>
      %reduce_sum3A_73 = vector.shape_cast %reduce_sum3A_72 : vector<1xi32> to vector<1x1x1xi32>
      %reduce_sum3A_74 = vector.extract %reduce_sum3A_73[0, 0, 0] : i32 from vector<1x1x1xi32>
      %ge3A = arith.cmpi sge, %reduce_sum3A_74, %sub3A_14 : i32
      %select_n3A_75 = arith.select %ge3A, %add3A_66, %scan3A_44 : i32
      %select_n3A_76 = arith.select %ge3A, %scan3A_45, %add3A_66 : i32
      %select_n3A_77 = arith.select %ge3A, %scan3A_46, %reduce_sum3A_74 : i32
      scf.yield %select_n3A_75, %select_n3A_76, %select_n3A_77 : i32, i32, i32
    }
    %shift_left3A = arith.constant 18 : i32
    %shift_left3A_23 = arith.shli %get3A_1, %shift_left3A : i32
    %shift_left3A_24 = arith.constant 3 : i32
    %shift_left3A_25 = arith.shli %scan3A_22#1, %shift_left3A_24 : i32
    %or3A = arith.ori %shift_left3A_23, %shift_left3A_25 : i32
    %or3A_26 = arith.constant 7 : i32
    %or3A_27 = arith.ori %or3A, %or3A_26 : i32
    %bitcast_convert_type3A = arith.bitcast %or3A : i32 to f32
    %scan3A_28 = arith.constant 0.000000e+00 : f32
    %scan3A_29 = arith.constant 0 : i32
    %scan3A_30 = arith.constant 16 : i32
    %scan3A_31 = arith.addi %scan3A_29, %scan3A_30 : i32
    %scan3A_32 = arith.constant 1 : i32
    %scan3A_33 = scf.for %scan3A_43 = %scan3A_29 to %scan3A_31 step %scan3A_32 iter_args(%scan3A_44 = %scan3A_28) -> (f32)  : i32 {
      %mul3A_45 = arith.constant 1024 : i32
      %mul3A_46 = arith.muli %scan3A_43, %mul3A_45 : i32
      %get3A_47 = arith.index_cast %mul3A_46 : i32 to index
      %get3A_48 = arith.constant 0 : index
      %get3A_49 = vector.load %arg1[%get3A_47, %get3A_48] : memref<16384x128xi32, #tpu.memory_space<vmem>>, vector<1024x128xi32>
      %bitcast_convert_type3A_50 = tpu.bitcast %get3A_49 : vector<1024x128xi32> -> vector<1024x128xf32>
      %gt3A = vector.broadcast %or3A_27 : i32 to vector<1024x128xi32>
      %gt3A_51 = arith.cmpi sgt, %get3A_49, %gt3A : vector<1024x128xi32>
      %jit3A = arith.constant 0.000000e+00 : f32
      %broadcast_in_dim3A_52 = vector.broadcast %jit3A : f32 to vector<1024x128xf32>
      %select_n3A = arith.select %gt3A_51, %bitcast_convert_type3A_50, %broadcast_in_dim3A_52 : vector<1024x128xi1>, vector<1024x128xf32>
      %reduce_sum3A = vector.shape_cast %select_n3A : vector<1024x128xf32> to vector<1x1024x128xf32>
      %reduce_sum3A_53 = arith.constant dense<0.000000e+00> : vector<1xf32>
      %reduce_sum3A_54 = vector.multi_reduction <add>, %reduce_sum3A, %reduce_sum3A_53 [1, 2] : vector<1x1024x128xf32> to vector<1xf32>
      %reduce_sum3A_55 = vector.shape_cast %reduce_sum3A_54 : vector<1xf32> to vector<1x1x1xf32>
      %reduce_sum3A_56 = vector.extract %reduce_sum3A_55[0, 0, 0] : f32 from vector<1x1x1xf32>
      %add3A_57 = arith.addf %scan3A_44, %reduce_sum3A_56 : f32
      scf.yield %add3A_57 : f32
    }
    %scan3A_34 = arith.constant 16 : i32
    %sub3A_35 = arith.constant 524288 : i32
    %sub3A_36 = arith.subi %sub3A_35, %get3A_4 : i32
    %sub3A_37 = arith.subi %sub3A_36, %scan3A_22#2 : i32
    %convert_element_type3A = arith.sitofp %sub3A_37 : i32 to f32
    %mul3A_38 = arith.mulf %convert_element_type3A, %bitcast_convert_type3A : f32
    %add3A_39 = arith.addf %scan3A_33, %mul3A_38 : f32
    %div3A = arith.constant 5.242880e+05 : f32
    %div3A_40 = arith.divf %add3A_39, %div3A : f32
    %swap3A = arith.constant 0 : index
    %swap3A_41 = arith.constant 0 : index
    %swap3A_42 = memref.load %arg3[%swap3A, %swap3A_41] : memref<1x1xf32, #tpu.memory_space<smem>>
    memref.store %div3A_40, %arg3[%swap3A, %swap3A_41] : memref<1x1xf32, #tpu.memory_space<smem>>
    return
  }
}

</mosaic_0001>

<sc_bundles>
// kernel: kernel.10.cloned.1.call-start
scs
__scs_entry_jumppad:
0x0: {  	(pc) =	sbr.rel $0x88, $3  }
0x1: {  	(tag) =	ssettag $0x0;
	lr =	simm.s32 $0x1  }
0x2: {  	[smem:$0x3F9F] =	sst lr;
	_ =	strace $0xD0000000  }
0x3: {  	_ = 	snop  }
0x4: {  	_ = 	snop  }
0x5: {  	_ = 	snop  }
0x6: {  	_ = 	snop  }
0x7: {  	_ = 	snop  }
__scs_overlays_trampoline_lowered:
0x8: {  	[smem:$0x3FAE] =	sst s0  }
0x9: {  	[smem:$0x3FAF] =	sst s1  }
0xa: {  	[smem:$0x3FB0] =	sst s2  }
0xb: {  	[smem:$0x3FB1] =	sst s3  }
0xc: {  	[smem:$0x3FB2] =	sst s4  }
0xd: {  	[smem:$0x3FB3] =	sst s5  }
0xe: {  	[smem:$0x3FB4] =	sst s6  }
0xf: {  	[smem:$0x3FB5] =	sst s7  }
0x10: {  	[smem:$0x3FB6] =	sst s8  }
0x11: {  	[smem:$0x3FB7] =	sst s9;
	s0 =	simm.s32 @!p0 $0x0  }
0x12: {  	s1 =	sld [smem:$0x3F9D];
	s0 =	simm.s32 @p0 $0x1  }
0x13: {  	[smem:$0x3FB8] =	sst s0;
	s0 =	simm.s32 @!p1 $0x0  }
0x14: {  	s2 =	sld [smem:$0x3F9C];
	s0 =	simm.s32 @p1 $0x1  }
0x15: {  	[smem:$0x3FB9] =	sst s0;
	s0 =	simm.s32 @!p2 $0x0  }
0x16: {  	s3 =	sld [smem:$0x3FDB];
	s0 =	simm.s32 @p2 $0x1  }
0x17: {  	s4 =	simm.s32 $0x1BF5;
	[smem:$0x3FBB] =	sst s0  }
0x18: {  	s0 =	sld [smem:$0x3F9E];
	_ =	swait.ge [sflag:s4], $0x0  }
0x19: {  	s7 =	sld [smem:$0x3F9F]  }
0x1a: {  	s8 =	sadd.s32 $0xFFFFE003, lr  }
0x1b: {  	s9 =	sadd.s32 $0xFFFFFEF7, lr;
	s5 =	simm.s32 $0xFFFFFFFF;
	p2 =	slt.u32 s8, $0xFFFFF086  }
0x1c: {  	p1 =	slt.u32 s9, $0xF7A;
	s5 =	simm.s32 @!p2 $0x0  }
0x1d: {  	s5 =	simm.s32 @p1 $0x1;
	p0 =	seq.s32 s7, s2  }
0x1e: {  	s7 =	smul.u32 @!p0 $0xF7A, s2;
	p2 =	seq.s32 @!p0 s5, $0x0  }
0x1f: {  	s9 =	smul.u32 $0xF7A, s1;
	s8 =	simm.s32 @!p0 $0x1BF5;
	p2 =	por !p2, p0  }
0x20: {  	[sflag:s8] =	ssyncset.s32 @!p0 $0xFFFFF086;
	s6 =	sadd.s32 @!p0 s3, s7;
	s7 =	simm.s32 @!p0 $0x108  }
0x21: {  	s3 =	sadd.s32 s3, s9;
	s6 =	sadd.s32 @!p0 $0x88, s6;
	s7 =	simm.s32 @p2 $0x1082  }
0x22: {  	[simem:s7], [sflag:s8] =	dma.local @!p0 [hbm:s6], $0xF7A  }
0x23: {  	s9 =	sor.u32 $0xD0000000, s2;
	s6 =	simm.s32 $0x108;
	_ =	swait.ge @!p0 [sflag:s8], $0x0  }
0x24: {  	s3 =	sadd.s32 $0x88, s3;
	s6 =	simm.s32 @!p1 $0x1082;
	[sflag:s4] =	ssyncset.s32 $0xFFFFF086  }
0x25: {  	[simem:s6], [sflag:s4] =	dma.local [hbm:s3], $0xF7A  }
0x26: {  	[smem:$0x3F9F] =	sst s1;
	(tag) =	ssettag s2;
	_ =	strace s9  }
0x27: {  	s1 =	sld [smem:$0x3FAF]  }
0x28: {  	s2 =	sld [smem:$0x3FB0]  }
0x29: {  	s4 =	sld [smem:$0x3FB2]  }
0x2a: {  	p0 =	seq.s32 s5, $0x0;
	s5 =	sld [smem:$0x3FB3]  }
0x2b: {  	s6 =	sld [smem:$0x3FB4]  }
0x2c: {  	s7 =	sld [smem:$0x3FB5]  }
0x2d: {  	s3 =	simm.s32 $0x108;
	s8 =	sld [smem:$0x3FB6]  }
0x2e: {  	s3 =	simm.s32 @!p0 $0x1082;
	s9 =	sld [smem:$0x3FB7]  }
0x2f: {  	lr =	sadd.s32 s0, s3;
	s0 =	sld [smem:$0x3FAE]  }
0x30: {  	s3 =	sld [smem:$0x3FB1]  }
0x31: {  	[smem:$0x3FBA] =	sst s10  }
0x32: {  	s10 =	sld [smem:$0x3FB8];
	_ =	sdelay $0x3  }
0x33: {  	p0 =	seq.s32 s10, $0x1;
	s10 =	sld [smem:$0x3FBA];
	_ =	sdelay $0x3  }
0x34: {  	[smem:$0x3FBA] =	sst s10  }
0x35: {  	s10 =	sld [smem:$0x3FB9];
	_ =	sdelay $0x3  }
0x36: {  	p1 =	seq.s32 s10, $0x1;
	s10 =	sld [smem:$0x3FBA];
	_ =	sdelay $0x3  }
0x37: {  	[smem:$0x3FBA] =	sst s10  }
0x38: {  	s10 =	sld [smem:$0x3FBB]  }
0x39: {  	_ = 	snop;
	(pc) =	sbr.ind lr, $3  }
0x3a: {  	_ = 	snop  }
0x3b: {  	_ = 	snop  }
0x3c: {  	p2 =	seq.s32 s10, $0x1;
	s10 =	sld [smem:$0x3FBA]  }
0x3d: {  	_ =	shalt  }
0x3e: {  	_ =	shalt  }
0x3f: {  	_ =	shalt  }
0x40: {  	_ =	shalt  }
0x41: {  	_ =	shalt  }
0x42: {  	_ =	shalt  }
0x43: {  	_ =	shalt  }
0x44: {  	_ =	shalt  }
0x45: {  	_ =	shalt  }
0x46: {  	_ =	shalt  }
0x47: {  	_ =	shalt  }
0x48: {  	_ =	shalt  }
0x49: {  	_ =	shalt  }
0x4a: {  	_ =	shalt  }
0x4b: {  	_ =	shalt  }
0x4c: {  	_ =	shalt  }
0x4d: {  	_ =	shalt  }
0x4e: {  	_ =	shalt  }
0x4f: {  	_ =	shalt  }
0x50: {  	_ =	shalt  }
0x51: {  	_ =	shalt  }
0x52: {  	_ =	shalt  }
0x53: {  	_ =	shalt  }
0x54: {  	_ =	shalt  }
0x55: {  	_ =	shalt  }
0x56: {  	_ =	shalt  }
0x57: {  	_ =	shalt  }
0x58: {  	_ =	shalt  }
0x59: {  	_ =	shalt  }
0x5a: {  	_ =	shalt  }
0x5b: {  	_ =	shalt  }
0x5c: {  	_ =	shalt  }
0x5d: {  	_ =	shalt  }
0x5e: {  	_ =	shalt  }
0x5f: {  	_ =	shalt  }
0x60: {  	_ =	shalt  }
0x61: {  	_ =	shalt  }
0x62: {  	_ =	shalt  }
0x63: {  	_ =	shalt  }
0x64: {  	_ =	shalt  }
0x65: {  	_ =	shalt  }
0x66: {  	_ =	shalt  }
0x67: {  	_ =	shalt  }
0x68: {  	_ =	shalt  }
0x69: {  	_ =	shalt  }
0x6a: {  	_ =	shalt  }
0x6b: {  	_ =	shalt  }
0x6c: {  	_ =	shalt  }
0x6d: {  	_ =	shalt  }
0x6e: {  	_ =	shalt  }
0x6f: {  	_ =	shalt  }
0x70: {  	_ =	shalt  }
0x71: {  	_ =	shalt  }
0x72: {  	_ =	shalt  }
0x73: {  	_ =	shalt  }
0x74: {  	_ =	shalt  }
0x75: {  	_ =	shalt  }
0x76: {  	_ =	shalt  }
0x77: {  	_ =	shalt  }
0x78: {  	_ =	shalt  }
0x79: {  	_ =	shalt  }
0x7a: {  	_ =	shalt  }
0x7b: {  	_ =	shalt  }
0x7c: {  	_ =	shalt  }
0x7d: {  	_ =	shalt  }
0x7e: {  	_ =	shalt  }
0x7f: {  	_ =	shalt  }
0x80: {  	_ =	shalt  }
0x81: {  	_ =	shalt  }
0x82: {  	_ =	shalt  }
0x83: {  	_ =	shalt  }
0x84: {  	_ =	shalt  }
0x85: {  	_ =	shalt  }
0x86: {  	_ =	shalt  }
0x87: {  	_ =	shalt  }
.Lfunc_end0:
.L_simem_size_0:
called_computation.1_lowered:
.L_overlay_start_0:
0x88: {  	s2 =	sld [smem:$0x3FD9]  }
0x89: {  	s3 =	sld [smem:$0x3FFE];
	_ =	sdelay $0x1  }
0x8a: {  	s1 =	srdreg.scid  }
0x8b: {  	s0 =	sand.u32 $0x1, s1  }
0x8c: {  	s17 =	sshll.u32 s0, $0xA;
	s2 =	sadd.s32 s3, s2  }
0x8d: {  	s2 =	sadd.s32 s2, s17  }
0x8e: {  	[smem:$0x3FC6] =	sst s2  }
0x8f: {  	_ = 	snop  }
0x90: {  	s2 =	sld [smem:$0x3FD0];
	(tm) =	ssettm $0x1  }
0x91: {  	s18 =	sld [smem:$0x3FFB];
	_ =	sdelay $0x3  }
0x92: {  	_ =	strace s18  }
0x93: {  	s3 =	sld [smem:$0x3FFC];
	_ =	sdelay $0x3  }
0x94: {  	_ =	strace s3  }
0x95: {  	s3 =	sld [smem:$0x3FFD];
	_ =	sdelay $0x3  }
0x96: {  	_ =	strace s3  }
0x97: {  	_ =	strace $0x8FFFFFFF  }
0x98: {  	s19 =	sld [smem:$0x3FDB];
	_ =	sdelay $0x1  }
0x99: {  	s4 =	simm.s32 $_scs_section_size  }
0x9a: {  	s5 =	simm.s32 $_size__tile_overlayer_lowered;
	s6 =	simm.s32 $_tile_overlayer_lowered  }
0x9b: {  	s22 =	simm.s32 $0x1BFF;
	s21 =	sshll.u32 s6, $0x1;
	s3 =	sadd.s32 s4, s19  }
0x9c: {  	s7 =	simm.s32 $0x0;
	s20 =	sshll.u32 s5, $0x1;
	s5 =	sadd.s32 s21, s3  }
0x9d: {  	[timem:s7], [sflag:s22] =	dma.local [hbm:s5], s20  }
0x9e: {  	_ =	swait.ge [sflag:s22], s20  }
0x9f: {  	s4 =	ssub.s32 $0x0, s20;
	[sflag:s22] =	ssyncset.done $0x0  }
0xa0: {  	[sflag:s22] =	ssyncadd.s32 s4;
	_ =	sdelay $0x1  }
0xa1: {  	s23 =	simm.s32 $0x1B8B  }
0xa2: {  	_ =	swait.ge [sflag:s23], $0x1  }
0xa3: {  	[sflag:s23] =	ssyncset.done $0x0  }
0xa4: {  	s25 =	simm.s32 $0x1B8E;
	s24 =	sld [smem:$0x3FFE];
	[sflag:s23] =	ssyncadd.s32 $0xFFFFFFFF  }
0xa5: {  	s26 =	simm.s32 $execute0_lowered;
	[smem:$0x3FD2] =	sst s25  }
0xa6: {  	s5 =	sshll.u32 s26, $0x1;
	_ =	strace $0x80000050;
	[dreg:$0x1] =	wrdreg $0xFFFFFFFF  }
0xa7: {  	s28 =	simm.s32 $_size_execute0_lowered;
	s3 =	sadd.s32 s3, s5;
	[dreg:$0x0] =	wrdreg $0x0  }
0xa8: {  	s5 =	sshll.u32 s28, $0x1;
	[dreg:$0x2] =	wrdreg s3  }
0xa9: {  	[dreg:$0x3] =	wrdreg s5  }
0xaa: {  	[dreg:$0x4] =	wrdreg $0xC0  }
0xab: {  	_ =	task [dreg:s7], $0x5FFFF  }
0xac: {  	[dreg:$0x1] =	wrdreg $0xFFFFFFFF  }
0xad: {  	[dreg:$0x0] =	wrdreg $0x60  }
0xae: {  	[dreg:$0x2] =	wrdreg s24  }
0xaf: {  	[dreg:$0x3] =	wrdreg s2  }
0xb0: {  	[dreg:$0x4] =	wrdreg $0x9  }
0xb1: {  	_ =	task.clear_ibuf [dreg:s7], $0x5FFFF;
	_ =	strace $0x90000050  }
0xb2: {  	s29 =	simm.s32 $0x9;
	_ =	strace $0x80000056  }
0xb3: {  	_ =	swait.ge [sflag:s29], $0x1  }
0xb4: {  	[sflag:s29] =	ssyncadd.s32 $0xFFFFFFFF  }
0xb5: {  	_ =	strace $0x90000056  }
0xb6: {  	_ =	sfence  }
0xb7: {  	s30 =	sld [smem:$0x0];
	_ =	sdelay $0x2  }
0xb8: {  	s31 =	sshll.u32 s1, $0xD;
	s1 =	sshrl.u32 s1, $0x2  }
0xb9: {  	s3 =	sand.u32 $0x4000, s31;
	s1 =	sadd.s32 s1, s30  }
0xba: {  	s0 =	sor.u32 s3, s0;
	s1 =	sshll.u32 s1, $0x11  }
0xbb: {  	s0 =	sor.u32 s1, s0  }
0xbc: {  	s0 =	sadd.s32 $0x8F2B, s0  }
0xbd: {  	[sflag:s0] =	ssyncadd.remote.s32 $0x1  }
0xbe: {  	_ =	sfence.sel $0xFFFF  }
0xbf: {  	[dreg:$0x0] =	wrdreg $0xFFFFFFFF;
	(pc) =	sbr.abs _section_cstart, $3  }
0xc0: {  	[dreg:$0x1] =	wrdreg $0xFFFFFFFF  }
0xc1: {  	_ =	task.clear_ibuf [dreg:s7], $0x2FFFF;
	_ =	strace $0x9FFFFFFF  }
0xc2: {  	(tm) =	ssettm $0x7FFFFFFF  }
0xc3: {  	_ =	shalt  }
tec
execute0_lowered:
.L_overlay_start_1:
0x0: {  	(tag) =	ssettag $0x1  }
0x1: {  	s5 =	rddreg [dreg:$0x0]  }
0x2: {  	s1 =	rddreg [dreg:$0x1]  }
0x3: {  	s0 =	rddreg [dreg:$0x2];
	s2 =	simm.s32 $0x0;
	s3 =	srdreg.scid  }
0x4: {  	s11 =	simm.s32 $0x8080;
	s12 =	simm.s32 $0x0;
	[smem:$0x7FF] =	sst s2  }
0x5: {  	s6 =	sand.u32 $0x1, s3;
	s4 =	sadd.s32 $0x4A000, s5;
	s3 =	stileid.u32  }
0x6: {  	_ =	strace $0x80000051;
	s7 =	sshll.u32 s6, $0xC;
	s8 =	ssub.s32 $0x2, s6  }
0x7: {  	s6 =	sshll.u32 s6, $0x11;
	s9 =	sshll.u32 s3, $0xD;
	s10 =	sshrl.u32 s8, $0x1  }
0x8: {  	s7 =	sadd.s32 s7, s5;
	s5 =	sor.u32 s9, s6;
	s8 =	ssub.s32 s8, s10  }
0x9: {  	s6 =	sadd.s32 s4, s5;
	s7 =	sadd.s32 s9, s7;
	s9 =	simm.s32 $0x8000  }
0xa: {  	v0 =	vimm.s32 $0x0;
	v1 =	vimm.s32 $0x1;
	s10 =	simm.s32 $0x1;
	s7 =	sadd.s32 $0x8A000, s7;
	s8 =	smax.u32 s8, $0x1  }
.LBB2_1:
0xb: {  	[tilespmem:s9], [sflag:$0x1] =	stream.linear.gather [hbm4b:s1+s2], $0x80, $0x38;
	[tilespmem:$0x10080] =	vst v63  }
0xc: {  	_ =	swait.ge [sflag:s10], $0x80  }
0xd: {  	[sflag:s10] =	ssyncset.done $0x0  }
0xe: {  	s13 =	simm.s32 $0x40;
	[sflag:s10] =	ssyncadd.s32 $0xFFFFFF80  }
0xf: {  	[tilespmem:s13+$0xFFFFFFC0] =	vst v0  }
0x10: {  	[tilespmem:s13+$0x30] =	vst v0  }
0x11: {  	[tilespmem:s13+$0x20] =	vst v0  }
0x12: {  	[tilespmem:s13+$0x10] =	vst v0  }
0x13: {  	[tilespmem:s13+$0x0] =	vst v0  }
0x14: {  	[tilespmem:s13+$0xFFFFFFF0] =	vst v0  }
0x15: {  	s14 =	simm.s32 $0x0;
	[tilespmem:s13+$0xFFFFFFE0] =	vst v0  }
.LBB2_2:
0x16: {  	s14 =	sadd.s32 $0x80, s14;
	[tilespmem:s13+$0xFFFFFFD0] =	vst v0;
	s13 =	sadd.s32 $0x80, s13  }
0x17: {  	[tilespmem:s13+$0xFFFFFFC0] =	vst v0;
	p0 =	slt.u32 s14, $0x7F80  }
0x18: {  	[tilespmem:s13+$0x30] =	vst v0  }
.Ltmp0:
0x19: {  	[tilespmem:s13+$0x20] =	vst v0;
	(pc) =	sbr.rel @p0 .LBB2_2-.Ltmp0, $4  }
0x1a: {  	[tilespmem:s13+$0x10] =	vst v0  }
0x1b: {  	[tilespmem:s13+$0x0] =	vst v0  }
0x1c: {  	[tilespmem:s13+$0xFFFFFFF0] =	vst v0  }
0x1d: {  	[tilespmem:s13+$0xFFFFFFE0] =	vst v0  }
0x1e: {  	[tilespmem:s13+$0xFFFFFFD0] =	vst v0  }
0x1f: {  	v2 =	vld [tilespmem:$0x8000];
	_ =	sdelay $0x1  }
0x20: {  	s13 =	simm.s32 $0x0;
	s14 =	simm.s32 $0x1;
	_ =	strace $0x80000052  }
0x21: {  	[tilespmem:s11], [sflag:$0x1] =	stream.linear.gather [hbm4b:s6+s13], $0x4000, $0x200038;
	[tilespmem:$0x10080] =	vst v63  }
0x22: {  	s15 =	simm.s32 $0x0;
	s16 =	simm.s32 $0x0;
	_ =	strace $0x90000052  }
.LBB2_4:
0x23: {  	s17 =	smov.u32 s13;
	s13 =	sadd.s32 $0x1, s13  }
0x24: {  	p0 =	seq.s32 s13, $0x4  }
0x25: {  	s13 =	simm.s32 @p0 $0x0  }
0x26: {  	p6 =	sne.s32 s16, $0x3;
	p1 =	sne.s32 s17, s13  }
0x27: {  	p0 =	por !p6, !p1  }
0x28: {  	p0 =	por !p0, !p0  }
0x29: {  	s18 =	sshll.u32 @p0 s13, $0xB  }
0x2a: {  	s17 =	sand.u32 @p0 $0x1, s14;
	_ =	strace @p0 $0x80000053;
	s18 =	sadd.s32 @p0 s5, s18  }
0x2b: {  	s20 =	simm.s32 @p0 $0x0;
	s19 =	sshll.u32 @p0 s17, $0xE;
	s18 =	sand.u32 @p0 $0x1FFFF800, s18  }
0x2c: {  	s17 =	sadd.s32 @p0 $0x1, s17;
	s19 =	sor.u32 @p0 $0x8080, s19;
	s18 =	sadd.s32 @p0 s4, s18  }
0x2d: {  	[tilespmem:s19], [sflag:s17] =	stream.linear.gather @p0 [hbm4b:s18+s20], $0x4000, $0x200038;
	[tilespmem:$0x10080] =	vst v63  }
0x2e: {  	s30 =	sand.u32 $0x1, s15;
	_ =	strace @p0 $0x90000053  }
0x2f: {  	s31 =	sadd.s32 $0x1, s30;
	_ =	strace $0x80000054  }
0x30: {  	_ =	swait.ge [sflag:s31], $0x4000  }
0x31: {  	[sflag:s31] =	ssyncset.done $0x0  }
0x32: {  	[sflag:s31] =	ssyncadd.s32 $0xFFFFC000  }
0x33: {  	s17 =	sshll.u32 s30, $0xE;
	_ =	strace $0x90000054  }
0x34: {  	s17 =	sor.u32 $0x8100, s17;
	_ =	strace $0x80000055  }
0x35: {  	v3 =	vld [tilespmem:s17+$0x0];
	_ =	sdelay $0x3  }
0x36: {  	v4 =	vld [tilespmem:s17+$0xFFFFFF80]  }
0x37: {  	v5 =	vshra.s32 v3, $0x12  }
0x38: {  	v3 =	vshrl.u32 v3, $0x3;
	vm0 =	veq.s32 v5, v2  }
0x39: {  	v3 =	vand.u32 $0x7FFF, v3;
	_ =	sdelay $0x1  }
0x3a: {  	v5 =	vshra.s32 v4, $0x12  }
0x3b: {  	v4 =	vshrl.u32 v4, $0x3;
	vm1 =	veq.s32 v5, v2  }
0x3c: {  	v4 =	vand.u32 $0x7FFF, v4  }
0x3d: {  	[tilespmem:v3+s2+$0x0] =	vst.idx.add.s32.msk vm0, v1  }
0x3e: {  	v3 =	vld [tilespmem:s17+$0x10];
	_ =	sdelay $0x2  }
0x3f: {  	[tilespmem:v4+s2+$0x0] =	vst.idx.add.s32.msk vm1, v1  }
0x40: {  	v4 =	vld [tilespmem:s17+$0xFFFFFF90]  }
0x41: {  	v5 =	vshra.s32 v3, $0x12  }
0x42: {  	v3 =	vshrl.u32 v3, $0x3;
	vm0 =	veq.s32 v5, v2  }
0x43: {  	v3 =	vand.u32 $0x7FFF, v3;
	_ =	sdelay $0x1  }
0x44: {  	v5 =	vshra.s32 v4, $0x12  }
0x45: {  	v4 =	vshrl.u32 v4, $0x3;
	vm1 =	veq.s32 v5, v2  }
0x46: {  	v4 =	vand.u32 $0x7FFF, v4  }
0x47: {  	[tilespmem:v3+s2+$0x0] =	vst.idx.add.s32.msk vm0, v1  }
0x48: {  	v3 =	vld [tilespmem:s17+$0x20];
	_ =	sdelay $0x2  }
0x49: {  	[tilespmem:v4+s2+$0x0] =	vst.idx.add.s32.msk vm1, v1  }
0x4a: {  	v4 =	vld [tilespmem:s17+$0xFFFFFFA0]  }
0x4b: {  	s18 =	sadd.s32 $0x100, s17;
	v5 =	vshra.s32 v3, $0x12  }
0x4c: {  	v3 =	vshrl.u32 v3, $0x3;
	vm0 =	veq.s32 v5, v2;
	v5 =	vld [tilespmem:s18+$0x0]  }
0x4d: {  	v3 =	vand.u32 $0x7FFF, v3;
	_ =	sdelay $0x1  }
0x4e: {  	v6 =	vld [tilespmem:s18+$0xFFFFFF80];
	v7 =	vshra.s32 v4, $0x12  }
0x4f: {  	v4 =	vshrl.u32 v4, $0x3;
	vm1 =	veq.s32 v7, v2  }
0x50: {  	v4 =	vand.u32 $0x7FFF, v4;
	v7 =	vshra.s32 v5, $0x12  }
0x51: {  	[tilespmem:v3+s2+$0x0] =	vst.idx.add.s32.msk vm0, v1;
	vm0 =	veq.s32 v7, v2;
	v3 =	vshrl.u32 v5, $0x3  }
0x52: {  	v5 =	vld [tilespmem:s17+$0x30];
	v3 =	vand.u32 $0x7FFF, v3  }
0x53: {  	v7 =	vshra.s32 v6, $0x12  }
0x54: {  	v6 =	vshrl.u32 v6, $0x3;
	vm2 =	veq.s32 v7, v2  }
0x55: {  	v6 =	vand.u32 $0x7FFF, v6;
	[tilespmem:v4+s2+$0x0] =	vst.idx.add.s32.msk vm1, v1  }
0x56: {  	v4 =	vld [tilespmem:s17+$0xFFFFFFB0]  }
0x57: {  	v7 =	vshra.s32 v5, $0x12;
	[tilespmem:v3+s2+$0x0] =	vst.idx.add.s32.msk vm0, v1  }
0x58: {  	v3 =	vshrl.u32 v5, $0x3;
	vm0 =	veq.s32 v7, v2;
	v5 =	vld [tilespmem:s18+$0x10]  }
0x59: {  	v3 =	vand.u32 $0x7FFF, v3  }
0x5a: {  	[tilespmem:v6+s2+$0x0] =	vst.idx.add.s32.msk vm2, v1  }
0x5b: {  	v6 =	vshra.s32 v4, $0x12;
	v7 =	vld [tilespmem:s18+$0xFFFFFF90]  }
0x5c: {  	v4 =	vshrl.u32 v4, $0x3;
	vm1 =	veq.s32 v6, v2  }
0x5d: {  	v4 =	vand.u32 $0x7FFF, v4;
	v6 =	vshra.s32 v5, $0x12  }
0x5e: {  	[tilespmem:v3+s2+$0x0] =	vst.idx.add.s32.msk vm0, v1;
	vm0 =	veq.s32 v6, v2;
	v3 =	vshrl.u32 v5, $0x3  }
0x5f: {  	v5 =	vld [tilespmem:s17+$0x40];
	v3 =	vand.u32 $0x7FFF, v3  }
0x60: {  	v6 =	vshra.s32 v7, $0x12  }
0x61: {  	v7 =	vshrl.u32 v7, $0x3;
	vm2 =	veq.s32 v6, v2  }
0x62: {  	v6 =	vand.u32 $0x7FFF, v7;
	[tilespmem:v4+s2+$0x0] =	vst.idx.add.s32.msk vm1, v1  }
0x63: {  	v4 =	vld [tilespmem:s17+$0xFFFFFFC0]  }
0x64: {  	v7 =	vshra.s32 v5, $0x12;
	[tilespmem:v3+s2+$0x0] =	vst.idx.add.s32.msk vm0, v1  }
0x65: {  	v3 =	vshrl.u32 v5, $0x3;
	vm0 =	veq.s32 v7, v2;
	v5 =	vld [tilespmem:s18+$0x20]  }
0x66: {  	v3 =	vand.u32 $0x7FFF, v3  }
0x67: {  	[tilespmem:v6+s2+$0x0] =	vst.idx.add.s32.msk vm2, v1  }
0x68: {  	v6 =	vshra.s32 v4, $0x12;
	v7 =	vld [tilespmem:s18+$0xFFFFFFA0]  }
0x69: {  	s19 =	sadd.s32 $0x100, s18;
	v4 =	vshrl.u32 v4, $0x3;
	vm1 =	veq.s32 v6, v2  }
0x6a: {  	v4 =	vand.u32 $0x7FFF, v4;
	v6 =	vld [tilespmem:s19+$0x0];
	v8 =	vshra.s32 v5, $0x12  }
0x6b: {  	[tilespmem:v3+s2+$0x0] =	vst.idx.add.s32.msk vm0, v1;
	vm0 =	veq.s32 v8, v2;
	v3 =	vshrl.u32 v5, $0x3  }
0x6c: {  	v5 =	vld [tilespmem:s17+$0x50];
	v3 =	vand.u32 $0x7FFF, v3  }
0x6d: {  	v8 =	vshra.s32 v7, $0x12  }
0x6e: {  	v9 =	vld [tilespmem:s19+$0xFFFFFF80];
	v7 =	vshrl.u32 v7, $0x3;
	vm2 =	veq.s32 v8, v2  }
0x6f: {  	v7 =	vand.u32 $0x7FFF, v7;
	[tilespmem:v4+s2+$0x0] =	vst.idx.add.s32.msk vm1, v1;
	v4 =	vshra.s32 v6, $0x12  }
0x70: {  	v8 =	vld [tilespmem:s17+$0xFFFFFFD0];
	vm1 =	veq.s32 v4, v2;
	v4 =	vshrl.u32 v6, $0x3  }
0x71: {  	v4 =	vand.u32 $0x7FFF, v4;
	v6 =	vshra.s32 v5, $0x12;
	[tilespmem:v3+s2+$0x0] =	vst.idx.add.s32.msk vm0, v1  }
0x72: {  	v3 =	vshrl.u32 v5, $0x3;
	vm0 =	veq.s32 v6, v2;
	v5 =	vld [tilespmem:s18+$0x30]  }
0x73: {  	v6 =	vshra.s32 v9, $0x12;
	v3 =	vand.u32 $0x7FFF, v3  }
0x74: {  	[tilespmem:v7+s2+$0x0] =	vst.idx.add.s32.msk vm2, v1;
	vm3 =	veq.s32 v6, v2;
	v6 =	vshrl.u32 v9, $0x3  }
0x75: {  	v7 =	vshra.s32 v8, $0x12;
	v9 =	vld [tilespmem:s18+$0xFFFFFFB0];
	v6 =	vand.u32 $0x7FFF, v6  }
0x76: {  	v8 =	vshrl.u32 v8, $0x3;
	vm2 =	veq.s32 v7, v2;
	[tilespmem:v4+s2+$0x0] =	vst.idx.add.s32.msk vm1, v1  }
0x77: {  	v4 =	vand.u32 $0x7FFF, v8;
	v7 =	vld [tilespmem:s19+$0x10];
	v8 =	vshra.s32 v5, $0x12  }
0x78: {  	[tilespmem:v3+s2+$0x0] =	vst.idx.add.s32.msk vm0, v1;
	vm0 =	veq.s32 v8, v2;
	v3 =	vshrl.u32 v5, $0x3  }
0x79: {  	v5 =	vld [tilespmem:s17+$0x60];
	v3 =	vand.u32 $0x7FFF, v3  }
0x7a: {  	[tilespmem:v6+s2+$0x0] =	vst.idx.add.s32.msk vm3, v1;
	v6 =	vshra.s32 v9, $0x12  }
0x7b: {  	v8 =	vshrl.u32 v9, $0x3;
	v9 =	vld [tilespmem:s19+$0xFFFFFF90];
	vm1 =	veq.s32 v6, v2  }
0x7c: {  	[tilespmem:v4+s2+$0x0] =	vst.idx.add.s32.msk vm2, v1;
	v6 =	vand.u32 $0x7FFF, v8;
	v8 =	vshra.s32 v7, $0x12  }
0x7d: {  	v4 =	vshrl.u32 v7, $0x3;
	v7 =	vld [tilespmem:s17+$0xFFFFFFE0];
	vm2 =	veq.s32 v8, v2  }
0x7e: {  	v4 =	vand.u32 $0x7FFF, v4;
	v8 =	vshra.s32 v5, $0x12;
	[tilespmem:v3+s2+$0x0] =	vst.idx.add.s32.msk vm0, v1  }
0x7f: {  	v3 =	vshrl.u32 v5, $0x3;
	vm0 =	veq.s32 v8, v2;
	v5 =	vld [tilespmem:s18+$0x40]  }
0x80: {  	v8 =	vshra.s32 v9, $0x12;
	v3 =	vand.u32 $0x7FFF, v3  }
0x81: {  	v9 =	vshrl.u32 v9, $0x3;
	vm3 =	veq.s32 v8, v2;
	[tilespmem:v6+s2+$0x0] =	vst.idx.add.s32.msk vm1, v1  }
0x82: {  	v8 =	vand.u32 $0x7FFF, v9;
	v6 =	vshra.s32 v7, $0x12;
	v9 =	vld [tilespmem:s18+$0xFFFFFFC0]  }
0x83: {  	v7 =	vshrl.u32 v7, $0x3;
	[tilespmem:v4+s2+$0x0] =	vst.idx.add.s32.msk vm2, v1;
	vm2 =	veq.s32 v6, v2  }
0x84: {  	v10 =	vand.u32 $0x7FFF, v7;
	v6 =	vld [tilespmem:s19+$0x20];
	v4 =	vshra.s32 v5, $0x12  }
0x85: {  	[tilespmem:v3+s2+$0x0] =	vst.idx.add.s32.msk vm0, v1;
	vm0 =	veq.s32 v4, v2;
	v4 =	vshrl.u32 v5, $0x3  }
0x86: {  	v3 =	vld [tilespmem:s17+$0x70];
	v5 =	vand.u32 $0x7FFF, v4  }
0x87: {  	[tilespmem:v8+s2+$0x0] =	vst.idx.add.s32.msk vm3, v1;
	v4 =	vshra.s32 v9, $0x12  }
0x88: {  	v8 =	vshrl.u32 v9, $0x3;
	v7 =	vld [tilespmem:s19+$0xFFFFFFA0];
	vm1 =	veq.s32 v4, v2  }
0x89: {  	s20 =	simm.s32 $0x4;
	s21 =	sadd.s32 $0x100, s19;
	v4 =	vand.u32 $0x7FFF, v8;
	v8 =	vshra.s32 v6, $0x12;
	[tilespmem:v10+s2+$0x0] =	vst.idx.add.s32.msk vm2, v1  }
.LBB2_5:
0x8a: {  	v9 =	vld [tilespmem:s21+$0x0];
	vm2 =	veq.s32 v8, v2;
	v6 =	vshrl.u32 v6, $0x3  }
0x8b: {  	s20 =	sadd.s32 $0x2, s20;
	v6 =	vand.u32 $0x7FFF, v6;
	[tilespmem:v5+s2+$0x0] =	vst.idx.add.s32.msk vm0, v1;
	v5 =	vshra.s32 v3, $0x12  }
0x8c: {  	p2 =	slt.u32 s20, $0x7E;
	v3 =	vshrl.u32 v3, $0x3;
	v8 =	vld [tilespmem:s18+$0x50];
	vm0 =	veq.s32 v5, v2  }
0x8d: {  	v3 =	vand.u32 $0x7FFF, v3;
	v5 =	vld [tilespmem:s21+$0xFFFFFF80];
	v10 =	vshra.s32 v7, $0x12;
	v7 =	vshrl.u32 v7, $0x3  }
0x8e: {  	vm3 =	veq.s32 v10, v2;
	v7 =	vand.u32 $0x7FFF, v7;
	[tilespmem:v4+s2+$0x0] =	vst.idx.add.s32.msk vm1, v1  }
0x8f: {  	v4 =	vshra.s32 v9, $0x12;
	v10 =	vld [tilespmem:s18+$0xFFFFFFD0]  }
0x90: {  	vm1 =	veq.s32 v4, v2;
	v4 =	vshrl.u32 v9, $0x3;
	[tilespmem:v6+s2+$0x0] =	vst.idx.add.s32.msk vm2, v1  }
0x91: {  	v4 =	vand.u32 $0x7FFF, v4;
	v6 =	vld [tilespmem:s19+$0x30];
	v9 =	vshra.s32 v8, $0x12  }
0x92: {  	v8 =	vshrl.u32 v8, $0x3;
	v11 =	vshra.s32 v5, $0x12;
	vm2 =	veq.s32 v9, v2;
	[tilespmem:v3+s2+$0x0] =	vst.idx.add.s32.msk vm0, v1  }
0x93: {  	v3 =	vshrl.u32 v5, $0x3;
	v5 =	vand.u32 $0x7FFF, v8;
	vm0 =	veq.s32 v11, v2;
	v8 =	vld [tilespmem:s17+$0xFFFFFFF0];
	s17 =	smov.u32 s18;
	s18 =	smov.u32 s19;
	s19 =	smov.u32 s21  }
0x94: {  	v3 =	vand.u32 $0x7FFF, v3;
	[tilespmem:v7+s2+$0x0] =	vst.idx.add.s32.msk vm3, v1;
	v7 =	vshra.s32 v10, $0x12;
	v9 =	vshrl.u32 v10, $0x3  }
0x95: {  	v10 =	vld [tilespmem:s18+$0xFFFFFFB0];
	vm3 =	veq.s32 v7, v2;
	v7 =	vand.u32 $0x7FFF, v9  }
0x96: {  	[tilespmem:v4+s2+$0x0] =	vst.idx.add.s32.msk vm1, v1  }
0x97: {  	v9 =	vshra.s32 v6, $0x12;
	v4 =	vld [tilespmem:s21+$0x10]  }
0x98: {  	v6 =	vshrl.u32 v6, $0x3;
	vm1 =	veq.s32 v9, v2;
	[tilespmem:v5+s2+$0x0] =	vst.idx.add.s32.msk vm2, v1;
	v5 =	vshra.s32 v8, $0x12  }
0x99: {  	v6 =	vand.u32 $0x7FFF, v6;
	v9 =	vld [tilespmem:s17+$0x60];
	vm2 =	veq.s32 v5, v2;
	v5 =	vshrl.u32 v8, $0x3  }
0x9a: {  	[tilespmem:v3+s2+$0x0] =	vst.idx.add.s32.msk vm0, v1;
	v3 =	vshra.s32 v10, $0x12;
	v8 =	vshrl.u32 v10, $0x3;
	v5 =	vand.u32 $0x7FFF, v5  }
0x9b: {  	v10 =	vld [tilespmem:s21+$0xFFFFFF90];
	vm0 =	veq.s32 v3, v2;
	v3 =	vand.u32 $0x7FFF, v8  }
0x9c: {  	v8 =	vshra.s32 v4, $0x12;
	[tilespmem:v7+s2+$0x0] =	vst.idx.add.s32.msk vm3, v1  }
0x9d: {  	v4 =	vshrl.u32 v4, $0x3;
	vm3 =	veq.s32 v8, v2;
	v7 =	vld [tilespmem:s17+$0xFFFFFFE0]  }
0x9e: {  	v4 =	vand.u32 $0x7FFF, v4;
	[tilespmem:v6+s2+$0x0] =	vst.idx.add.s32.msk vm1, v1;
	v6 =	vshra.s32 v9, $0x12  }
0x9f: {  	v8 =	vld [tilespmem:s18+$0x40];
	vm1 =	veq.s32 v6, v2;
	v6 =	vshrl.u32 v9, $0x3  }
0xa0: {  	v9 =	vshra.s32 v10, $0x12;
	v10 =	vshrl.u32 v10, $0x3;
	v11 =	vand.u32 $0x7FFF, v6;
	[tilespmem:v5+s2+$0x0] =	vst.idx.add.s32.msk vm2, v1  }
0xa1: {  	vm2 =	veq.s32 v9, v2;
	v9 =	vand.u32 $0x7FFF, v10;
	[tilespmem:v3+s2+$0x0] =	vst.idx.add.s32.msk vm0, v1  }
0xa2: {  	v10 =	vld [tilespmem:s18+$0xFFFFFFC0];
	v3 =	vshra.s32 v7, $0x12;
	v5 =	vshrl.u32 v7, $0x3  }
0xa3: {  	[tilespmem:v4+s2+$0x0] =	vst.idx.add.s32.msk vm3, v1;
	vm3 =	veq.s32 v3, v2;
	v12 =	vand.u32 $0x7FFF, v5  }
0xa4: {  	v6 =	vld [tilespmem:s21+$0x20];
	v3 =	vshra.s32 v8, $0x12  }
.Ltmp1:
0xa5: {  	vm0 =	veq.s32 v3, v2;
	v3 =	vshrl.u32 v8, $0x3;
	[tilespmem:v11+s2+$0x0] =	vst.idx.add.s32.msk vm1, v1;
	(pc) =	sbr.rel @p2 .LBB2_5-.Ltmp1, $4  }
0xa6: {  	v5 =	vand.u32 $0x7FFF, v3;
	v3 =	vld [tilespmem:s17+$0x70]  }
0xa7: {  	[tilespmem:v9+s2+$0x0] =	vst.idx.add.s32.msk vm2, v1;
	v4 =	vshra.s32 v10, $0x12;
	v8 =	vshrl.u32 v10, $0x3  }
0xa8: {  	v7 =	vld [tilespmem:s21+$0xFFFFFFA0];
	vm1 =	veq.s32 v4, v2;
	v4 =	vand.u32 $0x7FFF, v8  }
0xa9: {  	s21 =	sadd.s32 $0x100, s21;
	v8 =	vshra.s32 v6, $0x12;
	[tilespmem:v12+s2+$0x0] =	vst.idx.add.s32.msk vm3, v1  }
0xaa: {  	_ =	sdelay $0x1  }
0xab: {  	vm2 =	veq.s32 v8, v2;
	v6 =	vshrl.u32 v6, $0x3  }
0xac: {  	v6 =	vand.u32 $0x7FFF, v6;
	v31 =	vshra.s32 v7, $0x12  }
0xad: {  	v32 =	vshrl.u32 v7, $0x3;
	vm3 =	veq.s32 v31, v2  }
0xae: {  	v7 =	vand.u32 $0x7FFF, v32;
	_ =	sdelay $0x2  }
0xaf: {  	[tilespmem:v6+s2+$0x0] =	vst.idx.add.s32.msk vm2, v1  }
0xb0: {  	v6 =	vld [tilespmem:s19+$0x30]  }
0xb1: {  	[tilespmem:v7+s2+$0x0] =	vst.idx.add.s32.msk vm3, v1  }
0xb2: {  	v7 =	vld [tilespmem:s19+$0xFFFFFFB0];
	_ =	sdelay $0x2  }
0xb3: {  	v33 =	vshra.s32 v6, $0x12  }
0xb4: {  	v6 =	vshrl.u32 v6, $0x3;
	vm12 =	veq.s32 v33, v2  }
0xb5: {  	v6 =	vand.u32 $0x7FFF, v6;
	v34 =	vshra.s32 v7, $0x12  }
0xb6: {  	v7 =	vshrl.u32 v7, $0x3;
	vm13 =	veq.s32 v34, v2  }
0xb7: {  	v7 =	vand.u32 $0x7FFF, v7;
	_ =	sdelay $0x2  }
0xb8: {  	[tilespmem:v6+s2+$0x0] =	vst.idx.add.s32.msk vm12, v1  }
0xb9: {  	v6 =	vld [tilespmem:s19+$0x40]  }
0xba: {  	[tilespmem:v7+s2+$0x0] =	vst.idx.add.s32.msk vm13, v1  }
0xbb: {  	v7 =	vld [tilespmem:s19+$0xFFFFFFC0];
	_ =	sdelay $0x2  }
0xbc: {  	v35 =	vshra.s32 v6, $0x12  }
0xbd: {  	v6 =	vshrl.u32 v6, $0x3;
	vm14 =	veq.s32 v35, v2  }
0xbe: {  	[tilespmem:v4+s2+$0x0] =	vst.idx.add.s32.msk vm1, v1;
	v6 =	vand.u32 $0x7FFF, v6;
	v36 =	vshra.s32 v7, $0x12  }
0xbf: {  	v4 =	vld [tilespmem:s18+$0xFFFFFFD0];
	v37 =	vshrl.u32 v7, $0x3;
	vm15 =	veq.s32 v36, v2  }
0xc0: {  	[tilespmem:v5+s2+$0x0] =	vst.idx.add.s32.msk vm0, v1;
	v5 =	vand.u32 $0x7FFF, v37  }
0xc1: {  	v38 =	vld [tilespmem:s18+$0x50];
	_ =	sdelay $0x1  }
0xc2: {  	[tilespmem:v6+s2+$0x0] =	vst.idx.add.s32.msk vm14, v1  }
0xc3: {  	v42 =	vshra.s32 v4, $0x12;
	v6 =	vld [tilespmem:s19+$0x50]  }
0xc4: {  	v4 =	vshrl.u32 v4, $0x3;
	vm5 =	veq.s32 v42, v2;
	[tilespmem:v5+s2+$0x0] =	vst.idx.add.s32.msk vm15, v1  }
0xc5: {  	v39 =	vshra.s32 v38, $0x12;
	v4 =	vand.u32 $0x7FFF, v4;
	v41 =	vld [tilespmem:s19+$0xFFFFFFD0]  }
0xc6: {  	v40 =	vshrl.u32 v38, $0x3;
	vm4 =	veq.s32 v39, v2  }
0xc7: {  	v5 =	vand.u32 $0x7FFF, v40  }
0xc8: {  	v43 =	vshra.s32 v6, $0x12  }
0xc9: {  	v6 =	vshrl.u32 v6, $0x3;
	vm6 =	veq.s32 v43, v2  }
0xca: {  	[tilespmem:v4+s2+$0x0] =	vst.idx.add.s32.msk vm5, v1;
	v6 =	vand.u32 $0x7FFF, v6;
	v44 =	vshra.s32 v41, $0x12  }
0xcb: {  	v4 =	vld [tilespmem:s18+$0xFFFFFFE0];
	v45 =	vshrl.u32 v41, $0x3;
	vm7 =	veq.s32 v44, v2  }
0xcc: {  	[tilespmem:v5+s2+$0x0] =	vst.idx.add.s32.msk vm4, v1;
	v5 =	vand.u32 $0x7FFF, v45  }
0xcd: {  	v46 =	vld [tilespmem:s18+$0x60];
	_ =	sdelay $0x1  }
0xce: {  	[tilespmem:v6+s2+$0x0] =	vst.idx.add.s32.msk vm6, v1  }
0xcf: {  	v6 =	vld [tilespmem:s19+$0x60]  }
0xd0: {  	v50 =	vshra.s32 v4, $0x12;
	[tilespmem:v5+s2+$0x0] =	vst.idx.add.s32.msk vm7, v1  }
0xd1: {  	v4 =	vshrl.u32 v4, $0x3;
	vm9 =	veq.s32 v50, v2;
	v47 =	vshra.s32 v46, $0x12;
	v49 =	vld [tilespmem:s19+$0xFFFFFFE0]  }
0xd2: {  	v4 =	vand.u32 $0x7FFF, v4;
	v48 =	vshrl.u32 v46, $0x3;
	vm8 =	veq.s32 v47, v2  }
0xd3: {  	v5 =	vand.u32 $0x7FFF, v48  }
0xd4: {  	v51 =	vshra.s32 v6, $0x12  }
0xd5: {  	v6 =	vshrl.u32 v6, $0x3;
	vm10 =	veq.s32 v51, v2  }
0xd6: {  	v52 =	vld [tilespmem:s17+$0xFFFFFFF0];
	v6 =	vand.u32 $0x7FFF, v6;
	v9 =	vshra.s32 v49, $0x12  }
0xd7: {  	[tilespmem:v4+s2+$0x0] =	vst.idx.add.s32.msk vm9, v1;
	v53 =	vshrl.u32 v49, $0x3;
	vm11 =	veq.s32 v9, v2  }
0xd8: {  	[tilespmem:v5+s2+$0x0] =	vst.idx.add.s32.msk vm8, v1;
	v5 =	vand.u32 $0x7FFF, v53  }
0xd9: {  	v4 =	vld [tilespmem:s18+$0xFFFFFFF0]  }
0xda: {  	v54 =	vld [tilespmem:s18+$0x70]  }
0xdb: {  	[tilespmem:v6+s2+$0x0] =	vst.idx.add.s32.msk vm10, v1  }
0xdc: {  	v6 =	vld [tilespmem:s19+$0x70]  }
0xdd: {  	v55 =	vshra.s32 v3, $0x12;
	v3 =	vshrl.u32 v3, $0x3;
	[tilespmem:v5+s2+$0x0] =	vst.idx.add.s32.msk vm11, v1  }
0xde: {  	v3 =	vand.u32 $0x7FFF, v3;
	v56 =	vshra.s32 v52, $0x12;
	v58 =	vshrl.u32 v52, $0x3;
	v57 =	vld [tilespmem:s19+$0xFFFFFFF0]  }
0xdf: {  	vm12 =	veq.s32 v55, v2;
	vm13 =	veq.s32 v56, v2;
	v60 =	vshra.s32 v4, $0x12  }
0xe0: {  	v4 =	vshrl.u32 v4, $0x3;
	vm15 =	veq.s32 v60, v2;
	v59 =	vshra.s32 v54, $0x12  }
0xe1: {  	v4 =	vand.u32 $0x7FFF, v4;
	v7 =	vshrl.u32 v54, $0x3;
	vm14 =	veq.s32 v59, v2  }
0xe2: {  	v7 =	vand.u32 $0x7FFF, v7;
	v5 =	vand.u32 $0x7FFF, v58;
	v61 =	vshra.s32 v6, $0x12  }
0xe3: {  	v6 =	vshrl.u32 v6, $0x3;
	vm4 =	veq.s32 v61, v2;
	v62 =	vshra.s32 v57, $0x12  }
0xe4: {  	v6 =	vand.u32 $0x7FFF, v6;
	v63 =	vshrl.u32 v57, $0x3;
	vm5 =	veq.s32 v62, v2  }
0xe5: {  	p2 =	seq.s32 s16, $0x3;
	s17 =	simm.s32 $0x1;
	s16 =	sadd.s32 $0x1, s16;
	[tilespmem:v3+s2+$0x0] =	vst.idx.add.s32.msk vm12, v1;
	v3 =	vand.u32 $0x7FFF, v63  }
0xe6: {  	s17 =	simm.s32 @!p0 $0x0;
	p0 =	sne.s32 s16, $0x4;
	[tilespmem:v4+s2+$0x0] =	vst.idx.add.s32.msk vm15, v1  }
.Ltmp2:
0xe7: {  	[tilespmem:v5+s2+$0x0] =	vst.idx.add.s32.msk vm13, v1;
	(pc) =	sbr.rel @p0 .LBB2_4-.Ltmp2, $4  }
0xe8: {  	[tilespmem:v7+s2+$0x0] =	vst.idx.add.s32.msk vm14, v1  }
0xe9: {  	p1 =	por p2, p1;
	s18 =	simm.s32 $0x1;
	[tilespmem:v6+s2+$0x0] =	vst.idx.add.s32.msk vm4, v1  }
0xea: {  	s18 =	simm.s32 @!p1 $0x0;
	[tilespmem:v3+s2+$0x0] =	vst.idx.add.s32.msk vm5, v1  }
0xeb: {  	s14 =	sadd.s32 s17, s14;
	s15 =	sadd.s32 s18, s15;
	_ =	strace $0x90000055  }
0xec: {  	s12 =	sadd.s32 $0x1, s12  }
0xed: {  	p0 =	sne.s32 s12, s8  }
.Ltmp3:
0xee: {  	_ = 	snop;
	(pc) =	sbr.rel @p0 .LBB2_1-.Ltmp3, $4  }
0xef: {  	[hbm4b:s7+s2] =	stream.linear.scatter [tilespmem:s2], [sflag:$0x1], $0x8000, $0x38;
	[tilespmem:$0x10080] =	vst v63  }
0xf0: {  	_ =	swait.ge [sflag:s10], $0x8000  }
0xf1: {  	[sflag:s10] =	ssyncset.done $0x0  }
0xf2: {  	[sflag:s10] =	ssyncadd.s32 $0xFFFF8000  }
0xf3: {  	_ =	sfence.sel $0x180000  }
0xf4: {  	[bflag:$0x0] =	sbarrier.arrive $0xFFFF  }
0xf5: {  	p0 =	sne.s32 s3, $0x0;
	_ =	strace $0x90000051  }
0xf6: {  	s0 =	sadd.s32 @!p0 $0x100000, s0;
	[bflag:$0x2] =	sbarrier.arrive $0xFFFF  }
0xf7: {  	[sflag:s0] =	ssyncadd.tile.s32 @!p0 $0x1;
	_ =	shalt  }
.Lfunc_end2:
_tile_overlayer_lowered:
.L_overlay_start_2:
0xf8: {  	(tag) =	ssettag $0x2  }
0xf9: {  	s0 =	rddreg [dreg:$0x0];
	s2 =	stileid.u32  }
0xfa: {  	s1 =	rddreg [dreg:$0x1];
	p0 =	sne.s32 s2, $0x0  }
0xfb: {  	s3 =	rddreg [dreg:$0x2];
	[bflag:$0x3] =	sbarrier.arrive $0xFFFF;
	s2 =	simm.s32 @!p0 $0x1C01  }
0xfc: {  	[timem:s3], [sflag:s2] =	dma.local @!p0 [hbm:s0], s1  }
0xfd: {  	s0 =	simm.s32 @!p0 $0x1  }
0xfe: {  	_ =	swait.ge @!p0 [sflag:s0], s1  }
0xff: {  	s1 =	ssub.s32 @!p0 $0x0, s1;
	[sflag:s0] =	ssyncset.done @!p0 $0x0  }
0x100: {  	[sflag:s0] =	ssyncadd.s32 @!p0 s1  }
0x101: {  	[bflag:$0x3] =	sbarrier.arrive $0xFFFF  }
0x102: {  	_ =	shalt  }

// kernel: kernel.7.cloned.1.call-start
scs
__scs_entry_jumppad:
0x0: {  	(pc) =	sbr.rel $0x88, $3  }
0x1: {  	(tag) =	ssettag $0x0;
	lr =	simm.s32 $0x1  }
0x2: {  	[smem:$0x3F9F] =	sst lr;
	_ =	strace $0xD0000000  }
0x3: {  	_ = 	snop  }
0x4: {  	_ = 	snop  }
0x5: {  	_ = 	snop  }
0x6: {  	_ = 	snop  }
0x7: {  	_ = 	snop  }
__scs_overlays_trampoline_lowered:
0x8: {  	[smem:$0x3FAE] =	sst s0  }
0x9: {  	[smem:$0x3FAF] =	sst s1  }
0xa: {  	[smem:$0x3FB0] =	sst s2  }
0xb: {  	[smem:$0x3FB1] =	sst s3  }
0xc: {  	[smem:$0x3FB2] =	sst s4  }
0xd: {  	[smem:$0x3FB3] =	sst s5  }
0xe: {  	[smem:$0x3FB4] =	sst s6  }
0xf: {  	[smem:$0x3FB5] =	sst s7  }
0x10: {  	[smem:$0x3FB6] =	sst s8  }
0x11: {  	[smem:$0x3FB7] =	sst s9;
	s0 =	simm.s32 @!p0 $0x0  }
0x12: {  	s1 =	sld [smem:$0x3F9D];
	s0 =	simm.s32 @p0 $0x1  }
0x13: {  	[smem:$0x3FB8] =	sst s0;
	s0 =	simm.s32 @!p1 $0x0  }
0x14: {  	s2 =	sld [smem:$0x3F9C];
	s0 =	simm.s32 @p1 $0x1  }
0x15: {  	[smem:$0x3FB9] =	sst s0;
	s0 =	simm.s32 @!p2 $0x0  }
0x16: {  	s3 =	sld [smem:$0x3FDB];
	s0 =	simm.s32 @p2 $0x1  }
0x17: {  	s4 =	simm.s32 $0x1BF5;
	[smem:$0x3FBB] =	sst s0  }
0x18: {  	s0 =	sld [smem:$0x3F9E];
	_ =	swait.ge [sflag:s4], $0x0  }
0x19: {  	s7 =	sld [smem:$0x3F9F]  }
0x1a: {  	s8 =	sadd.s32 $0xFFFFE003, lr  }
0x1b: {  	s9 =	sadd.s32 $0xFFFFFEF7, lr;
	s5 =	simm.s32 $0xFFFFFFFF;
	p2 =	slt.u32 s8, $0xFFFFF086  }
0x1c: {  	p1 =	slt.u32 s9, $0xF7A;
	s5 =	simm.s32 @!p2 $0x0  }
0x1d: {  	s5 =	simm.s32 @p1 $0x1;
	p0 =	seq.s32 s7, s2  }
0x1e: {  	s7 =	smul.u32 @!p0 $0xF7A, s2;
	p2 =	seq.s32 @!p0 s5, $0x0  }
0x1f: {  	s9 =	smul.u32 $0xF7A, s1;
	s8 =	simm.s32 @!p0 $0x1BF5;
	p2 =	por !p2, p0  }
0x20: {  	[sflag:s8] =	ssyncset.s32 @!p0 $0xFFFFF086;
	s6 =	sadd.s32 @!p0 s3, s7;
	s7 =	simm.s32 @!p0 $0x108  }
0x21: {  	s3 =	sadd.s32 s3, s9;
	s6 =	sadd.s32 @!p0 $0x88, s6;
	s7 =	simm.s32 @p2 $0x1082  }
0x22: {  	[simem:s7], [sflag:s8] =	dma.local @!p0 [hbm:s6], $0xF7A  }
0x23: {  	s9 =	sor.u32 $0xD0000000, s2;
	s6 =	simm.s32 $0x108;
	_ =	swait.ge @!p0 [sflag:s8], $0x0  }
0x24: {  	s3 =	sadd.s32 $0x88, s3;
	s6 =	simm.s32 @!p1 $0x1082;
	[sflag:s4] =	ssyncset.s32 $0xFFFFF086  }
0x25: {  	[simem:s6], [sflag:s4] =	dma.local [hbm:s3], $0xF7A  }
0x26: {  	[smem:$0x3F9F] =	sst s1;
	(tag) =	ssettag s2;
	_ =	strace s9  }
0x27: {  	s1 =	sld [smem:$0x3FAF]  }
0x28: {  	s2 =	sld [smem:$0x3FB0]  }
0x29: {  	s4 =	sld [smem:$0x3FB2]  }
0x2a: {  	p0 =	seq.s32 s5, $0x0;
	s5 =	sld [smem:$0x3FB3]  }
0x2b: {  	s6 =	sld [smem:$0x3FB4]  }
0x2c: {  	s7 =	sld [smem:$0x3FB5]  }
0x2d: {  	s3 =	simm.s32 $0x108;
	s8 =	sld [smem:$0x3FB6]  }
0x2e: {  	s3 =	simm.s32 @!p0 $0x1082;
	s9 =	sld [smem:$0x3FB7]  }
0x2f: {  	lr =	sadd.s32 s0, s3;
	s0 =	sld [smem:$0x3FAE]  }
0x30: {  	s3 =	sld [smem:$0x3FB1]  }
0x31: {  	[smem:$0x3FBA] =	sst s10  }
0x32: {  	s10 =	sld [smem:$0x3FB8];
	_ =	sdelay $0x3  }
0x33: {  	p0 =	seq.s32 s10, $0x1;
	s10 =	sld [smem:$0x3FBA];
	_ =	sdelay $0x3  }
0x34: {  	[smem:$0x3FBA] =	sst s10  }
0x35: {  	s10 =	sld [smem:$0x3FB9];
	_ =	sdelay $0x3  }
0x36: {  	p1 =	seq.s32 s10, $0x1;
	s10 =	sld [smem:$0x3FBA];
	_ =	sdelay $0x3  }
0x37: {  	[smem:$0x3FBA] =	sst s10  }
0x38: {  	s10 =	sld [smem:$0x3FBB]  }
0x39: {  	_ = 	snop;
	(pc) =	sbr.ind lr, $3  }
0x3a: {  	_ = 	snop  }
0x3b: {  	_ = 	snop  }
0x3c: {  	p2 =	seq.s32 s10, $0x1;
	s10 =	sld [smem:$0x3FBA]  }
0x3d: {  	_ =	shalt  }
0x3e: {  	_ =	shalt  }
0x3f: {  	_ =	shalt  }
0x40: {  	_ =	shalt  }
0x41: {  	_ =	shalt  }
0x42: {  	_ =	shalt  }
0x43: {  	_ =	shalt  }
0x44: {  	_ =	shalt  }
0x45: {  	_ =	shalt  }
0x46: {  	_ =	shalt  }
0x47: {  	_ =	shalt  }
0x48: {  	_ =	shalt  }
0x49: {  	_ =	shalt  }
0x4a: {  	_ =	shalt  }
0x4b: {  	_ =	shalt  }
0x4c: {  	_ =	shalt  }
0x4d: {  	_ =	shalt  }
0x4e: {  	_ =	shalt  }
0x4f: {  	_ =	shalt  }
0x50: {  	_ =	shalt  }
0x51: {  	_ =	shalt  }
0x52: {  	_ =	shalt  }
0x53: {  	_ =	shalt  }
0x54: {  	_ =	shalt  }
0x55: {  	_ =	shalt  }
0x56: {  	_ =	shalt  }
0x57: {  	_ =	shalt  }
0x58: {  	_ =	shalt  }
0x59: {  	_ =	shalt  }
0x5a: {  	_ =	shalt  }
0x5b: {  	_ =	shalt  }
0x5c: {  	_ =	shalt  }
0x5d: {  	_ =	shalt  }
0x5e: {  	_ =	shalt  }
0x5f: {  	_ =	shalt  }
0x60: {  	_ =	shalt  }
0x61: {  	_ =	shalt  }
0x62: {  	_ =	shalt  }
0x63: {  	_ =	shalt  }
0x64: {  	_ =	shalt  }
0x65: {  	_ =	shalt  }
0x66: {  	_ =	shalt  }
0x67: {  	_ =	shalt  }
0x68: {  	_ =	shalt  }
0x69: {  	_ =	shalt  }
0x6a: {  	_ =	shalt  }
0x6b: {  	_ =	shalt  }
0x6c: {  	_ =	shalt  }
0x6d: {  	_ =	shalt  }
0x6e: {  	_ =	shalt  }
0x6f: {  	_ =	shalt  }
0x70: {  	_ =	shalt  }
0x71: {  	_ =	shalt  }
0x72: {  	_ =	shalt  }
0x73: {  	_ =	shalt  }
0x74: {  	_ =	shalt  }
0x75: {  	_ =	shalt  }
0x76: {  	_ =	shalt  }
0x77: {  	_ =	shalt  }
0x78: {  	_ =	shalt  }
0x79: {  	_ =	shalt  }
0x7a: {  	_ =	shalt  }
0x7b: {  	_ =	shalt  }
0x7c: {  	_ =	shalt  }
0x7d: {  	_ =	shalt  }
0x7e: {  	_ =	shalt  }
0x7f: {  	_ =	shalt  }
0x80: {  	_ =	shalt  }
0x81: {  	_ =	shalt  }
0x82: {  	_ =	shalt  }
0x83: {  	_ =	shalt  }
0x84: {  	_ =	shalt  }
0x85: {  	_ =	shalt  }
0x86: {  	_ =	shalt  }
0x87: {  	_ =	shalt  }
.Lfunc_end0:
.L_simem_size_0:
called_computation_lowered:
.L_overlay_start_0:
0x88: {  	s2 =	sld [smem:$0x3FD9]  }
0x89: {  	s3 =	sld [smem:$0x3FFE];
	_ =	sdelay $0x1  }
0x8a: {  	s1 =	srdreg.scid  }
0x8b: {  	s0 =	sand.u32 $0x1, s1  }
0x8c: {  	s16 =	sshll.u32 s0, $0xA;
	s2 =	sadd.s32 s3, s2  }
0x8d: {  	s2 =	sadd.s32 s2, s16  }
0x8e: {  	[smem:$0x3FC6] =	sst s2  }
0x8f: {  	_ = 	snop  }
0x90: {  	(tm) =	ssettm $0x1  }
0x91: {  	s17 =	sld [smem:$0x3FFB];
	_ =	sdelay $0x3  }
0x92: {  	_ =	strace s17  }
0x93: {  	s2 =	sld [smem:$0x3FFC];
	_ =	sdelay $0x3  }
0x94: {  	_ =	strace s2  }
0x95: {  	s2 =	sld [smem:$0x3FFD];
	_ =	sdelay $0x3  }
0x96: {  	_ =	strace s2  }
0x97: {  	_ =	strace $0x8FFFFFFF  }
0x98: {  	s18 =	sld [smem:$0x3FDB];
	_ =	sdelay $0x1  }
0x99: {  	s19 =	simm.s32 $_scs_section_size  }
0x9a: {  	s4 =	simm.s32 $_size__tile_overlayer_lowered;
	s5 =	simm.s32 $_tile_overlayer_lowered  }
0x9b: {  	s22 =	simm.s32 $0x1BFF;
	s21 =	sshll.u32 s5, $0x1;
	s2 =	sadd.s32 s19, s18  }
0x9c: {  	s6 =	simm.s32 $0x0;
	s20 =	sshll.u32 s4, $0x1;
	s4 =	sadd.s32 s21, s2  }
0x9d: {  	[timem:s6], [sflag:s22] =	dma.local [hbm:s4], s20  }
0x9e: {  	_ =	swait.ge [sflag:s22], s20  }
0x9f: {  	s3 =	ssub.s32 $0x0, s20;
	[sflag:s22] =	ssyncset.done $0x0  }
0xa0: {  	[sflag:s22] =	ssyncadd.s32 s3;
	_ =	sdelay $0x1  }
0xa1: {  	s23 =	simm.s32 $0x1B8B  }
0xa2: {  	_ =	swait.ge [sflag:s23], $0x1  }
0xa3: {  	[sflag:s23] =	ssyncset.done $0x0  }
0xa4: {  	s25 =	simm.s32 $0x1B8E;
	s24 =	sld [smem:$0x3FFE];
	[sflag:s23] =	ssyncadd.s32 $0xFFFFFFFF  }
0xa5: {  	s26 =	simm.s32 $execute0_lowered;
	[smem:$0x3FD2] =	sst s25  }
0xa6: {  	s4 =	sshll.u32 s26, $0x1;
	_ =	strace $0x80000046;
	[dreg:$0x1] =	wrdreg $0xFFFFFFFF  }
0xa7: {  	s28 =	simm.s32 $_size_execute0_lowered;
	s2 =	sadd.s32 s2, s4;
	[dreg:$0x0] =	wrdreg $0x0  }
0xa8: {  	s4 =	sshll.u32 s28, $0x1;
	[dreg:$0x2] =	wrdreg s2  }
0xa9: {  	[dreg:$0x3] =	wrdreg s4  }
0xaa: {  	[dreg:$0x4] =	wrdreg $0xC0  }
0xab: {  	_ =	task [dreg:s6], $0x5FFFF  }
0xac: {  	[dreg:$0x1] =	wrdreg $0xFFFFFFFF  }
0xad: {  	[dreg:$0x0] =	wrdreg $0x60  }
0xae: {  	[dreg:$0x2] =	wrdreg s24  }
0xaf: {  	[dreg:$0x3] =	wrdreg $0x9  }
0xb0: {  	_ =	task.clear_ibuf [dreg:s6], $0x4FFFF;
	_ =	strace $0x90000046  }
0xb1: {  	s29 =	simm.s32 $0x9;
	_ =	strace $0x8000004F  }
0xb2: {  	_ =	swait.ge [sflag:s29], $0x1  }
0xb3: {  	[sflag:s29] =	ssyncadd.s32 $0xFFFFFFFF  }
0xb4: {  	_ =	strace $0x9000004F  }
0xb5: {  	_ =	sfence  }
0xb6: {  	s30 =	sld [smem:$0x0];
	_ =	sdelay $0x2  }
0xb7: {  	s31 =	sshll.u32 s1, $0xD;
	s1 =	sshrl.u32 s1, $0x2  }
0xb8: {  	s3 =	sand.u32 $0x4000, s31;
	s1 =	sadd.s32 s1, s30  }
0xb9: {  	s0 =	sor.u32 s3, s0;
	s1 =	sshll.u32 s1, $0x11  }
0xba: {  	s0 =	sor.u32 s1, s0  }
0xbb: {  	s0 =	sadd.s32 $0x8F2B, s0  }
0xbc: {  	[sflag:s0] =	ssyncadd.remote.s32 $0x1  }
0xbd: {  	_ =	sfence.sel $0xFFFF  }
0xbe: {  	[dreg:$0x0] =	wrdreg $0xFFFFFFFF;
	(pc) =	sbr.abs _section_cstart, $3  }
0xbf: {  	[dreg:$0x1] =	wrdreg $0xFFFFFFFF  }
0xc0: {  	_ =	task.clear_ibuf [dreg:s6], $0x2FFFF;
	_ =	strace $0x9FFFFFFF  }
0xc1: {  	(tm) =	ssettm $0x7FFFFFFF  }
tec
execute0_lowered:
.L_overlay_start_1:
0x0: {  	(tag) =	ssettag $0x1  }
0x1: {  	s0 =	rddreg [dreg:$0x0];
	s2 =	srdreg.scid;
	s1 =	simm.s32 $0x0  }
0x2: {  	s8 =	stileid.u32;
	s9 =	simm.s32 $0x2000;
	s10 =	simm.s32 $0x1  }
0x3: {  	s11 =	simm.s32 $0x4;
	s12 =	simm.s32 $0x0;
	s2 =	sand.u32 $0x1, s2  }
0x4: {  	[smem:$0x7FF] =	sst s1;
	s3 =	sadd.s32 $0x2000, s0;
	s4 =	sshll.u32 s2, $0xA  }
0x5: {  	_ =	strace $0x80000047;
	s5 =	ssub.s32 $0x2, s2;
	s2 =	sshll.u32 s2, $0x4  }
0x6: {  	s7 =	sadd.s32 s4, s0;
	s4 =	sadd.s32 $0x4A000, s0;
	s30 =	sshrl.u32 s5, $0x1  }
0x7: {  	s2 =	sor.u32 s8, s2;
	s8 =	sshll.u32 s8, $0xB;
	s0 =	ssub.s32 s5, s30  }
0x8: {  	s6 =	sshll.u32 s2, $0xD;
	s5 =	sshll.u32 s2, $0x2;
	s31 =	sadd.s32 s8, s7  }
0x9: {  	v0 =	vimm.s32 $0x0;
	v1 =	vimm.s32 $0x1;
	s6 =	sadd.s32 s3, s6;
	s7 =	sadd.s32 $0x42000, s31;
	s8 =	smax.u32 s0, $0x1  }
.LBB2_1:
0xa: {  	s0 =	simm.s32 $0x40  }
0xb: {  	[tilespmem:s0+$0xFFFFFFC0] =	vst v0  }
0xc: {  	[tilespmem:s0+$0x30] =	vst v0  }
0xd: {  	[tilespmem:s0+$0x20] =	vst v0  }
0xe: {  	[tilespmem:s0+$0x10] =	vst v0  }
0xf: {  	[tilespmem:s0+$0x0] =	vst v0  }
0x10: {  	[tilespmem:s0+$0xFFFFFFF0] =	vst v0  }
0x11: {  	s2 =	simm.s32 $0x0;
	[tilespmem:s0+$0xFFFFFFE0] =	vst v0  }
.LBB2_2:
0x12: {  	s2 =	sadd.s32 $0x80, s2;
	[tilespmem:s0+$0xFFFFFFD0] =	vst v0;
	s0 =	sadd.s32 $0x80, s0  }
0x13: {  	[tilespmem:s0+$0xFFFFFFC0] =	vst v0;
	p0 =	slt.u32 s2, $0x1F80  }
0x14: {  	[tilespmem:s0+$0x30] =	vst v0  }
.Ltmp0:
0x15: {  	[tilespmem:s0+$0x20] =	vst v0;
	(pc) =	sbr.rel @p0 .LBB2_2-.Ltmp0, $4  }
0x16: {  	[tilespmem:s0+$0x10] =	vst v0  }
0x17: {  	[tilespmem:s0+$0x0] =	vst v0  }
0x18: {  	[tilespmem:s0+$0xFFFFFFF0] =	vst v0  }
0x19: {  	[tilespmem:s0+$0xFFFFFFE0] =	vst v0  }
0x1a: {  	[tilespmem:s0+$0xFFFFFFD0] =	vst v0;
	s13 =	simm.s32 $0x0;
	s14 =	simm.s32 $0x1  }
0x1b: {  	s15 =	simm.s32 $0x0;
	s16 =	simm.s32 $0x0;
	_ =	strace $0x80000048  }
0x1c: {  	[tilespmem:s9], [sflag:$0x1] =	stream.linear.gather [hbm4b:s6+s13], $0x4000, $0x200038;
	[tilespmem:$0x12000] =	vst v63  }
0x1d: {  	s17 =	simm.s32 $0x0;
	s18 =	simm.s32 $0x0;
	_ =	strace $0x90000048  }
.LBB2_4:
0x1e: {  	s29 =	smov.u32 s13;
	s13 =	sadd.s32 $0x1, s13  }
0x1f: {  	p0 =	seq.s32 s13, $0x4  }
0x20: {  	s13 =	simm.s32 @p0 $0x0  }
0x21: {  	p6 =	sne.s32 s18, $0x3;
	p1 =	sne.s32 s29, s13  }
0x22: {  	p0 =	por !p6, !p1  }
0x23: {  	p0 =	por !p0, !p0  }
0x24: {  	s2 =	sadd.s32 @p0 s5, s13  }
0x25: {  	s0 =	sand.u32 @p0 $0x1, s14;
	_ =	strace @p0 $0x80000049;
	s2 =	sshll.u32 @p0 s2, $0xB  }
0x26: {  	s20 =	simm.s32 @p0 $0x0;
	s19 =	sshll.u32 @p0 s0, $0xE;
	s2 =	sand.u32 @p0 $0x1FFFF800, s2  }
0x27: {  	s0 =	sadd.s32 @p0 $0x1, s0;
	s19 =	sor.u32 @p0 $0x2000, s19;
	s2 =	sadd.s32 @p0 s3, s2  }
0x28: {  	[tilespmem:s19], [sflag:s0] =	stream.linear.gather @p0 [hbm4b:s2+s20], $0x4000, $0x200038;
	[tilespmem:$0x12000] =	vst v63  }
0x29: {  	s25 =	sand.u32 $0x1, s17;
	_ =	strace @p0 $0x90000049  }
0x2a: {  	s26 =	sadd.s32 $0x1, s25;
	_ =	strace $0x8000004A  }
0x2b: {  	_ =	swait.ge [sflag:s26], $0x4000  }
0x2c: {  	[sflag:s26] =	ssyncset.done $0x0  }
0x2d: {  	[sflag:s26] =	ssyncadd.s32 $0xFFFFC000  }
0x2e: {  	s0 =	sshll.u32 s25, $0xE;
	_ =	strace $0x9000004A  }
0x2f: {  	s30 =	sor.u32 $0x2080, s0;
	_ =	strace $0x8000004B  }
0x30: {  	v2 =	vld [tilespmem:s30+$0xFFFFFF80];
	_ =	sdelay $0x4  }
0x31: {  	v4 =	vld [tilespmem:s30+$0x0];
	v3 =	vshra.s32 v2, $0x12;
	_ =	sdelay $0x2  }
0x32: {  	s19 =	sand.u32 $0x1, s16  }
0x33: {  	s2 =	sshll.u32 s19, $0xE  }
0x34: {  	s21 =	sor.u32 $0xA080, s2;
	[tilespmem:v3+s1+$0x0] =	vst.idx.add.s32.msk $0xffff, v1;
	v3 =	vshra.s32 v4, $0x12  }
0x35: {  	[tilespmem:s21+$0xFFFFFF80] =	vst v2  }
0x36: {  	v2 =	vld [tilespmem:s30+$0xFFFFFF90];
	_ =	sdelay $0x2  }
0x37: {  	[tilespmem:v3+s1+$0x0] =	vst.idx.add.s32.msk $0xffff, v1  }
0x38: {  	[tilespmem:s21+$0x0] =	vst v4  }
0x39: {  	v5 =	vshra.s32 v2, $0x12;
	v3 =	vld [tilespmem:s30+$0x10];
	_ =	sdelay $0x1  }
0x3a: {  	s26 =	sadd.s32 $0x100, s30  }
0x3b: {  	v4 =	vld [tilespmem:s26+$0xFFFFFF80];
	_ =	sdelay $0x1  }
0x3c: {  	[tilespmem:v5+s1+$0x0] =	vst.idx.add.s32.msk $0xffff, v1;
	v5 =	vshra.s32 v3, $0x12  }
0x3d: {  	[tilespmem:s21+$0xFFFFFF90] =	vst v2  }
0x3e: {  	v2 =	vld [tilespmem:s30+$0xFFFFFFA0]  }
0x3f: {  	v6 =	vshra.s32 v4, $0x12;
	_ =	sdelay $0x1  }
0x40: {  	[tilespmem:v5+s1+$0x0] =	vst.idx.add.s32.msk $0xffff, v1  }
0x41: {  	[tilespmem:s21+$0x10] =	vst v3  }
0x42: {  	v7 =	vshra.s32 v2, $0x12;
	v3 =	vld [tilespmem:s30+$0x20]  }
0x43: {  	s20 =	sadd.s32 $0x100, s21;
	[tilespmem:v6+s1+$0x0] =	vst.idx.add.s32.msk $0xffff, v1  }
0x44: {  	v5 =	vld [tilespmem:s26+$0x0];
	[tilespmem:s20+$0xFFFFFF80] =	vst v4  }
0x45: {  	v4 =	vld [tilespmem:s26+$0xFFFFFF90];
	_ =	sdelay $0x1  }
0x46: {  	[tilespmem:v7+s1+$0x0] =	vst.idx.add.s32.msk $0xffff, v1;
	v7 =	vshra.s32 v3, $0x12  }
0x47: {  	[tilespmem:s21+$0xFFFFFFA0] =	vst v2  }
0x48: {  	v2 =	vshra.s32 v5, $0x12;
	v6 =	vld [tilespmem:s30+$0xFFFFFFB0]  }
0x49: {  	v8 =	vshra.s32 v4, $0x12;
	_ =	sdelay $0x1  }
0x4a: {  	s22 =	sadd.s32 $0x100, s26;
	[tilespmem:v7+s1+$0x0] =	vst.idx.add.s32.msk $0xffff, v1  }
0x4b: {  	v7 =	vld [tilespmem:s22+$0xFFFFFF80]  }
0x4c: {  	[tilespmem:v2+s1+$0x0] =	vst.idx.add.s32.msk $0xffff, v1;
	v2 =	vshra.s32 v6, $0x12  }
0x4d: {  	[tilespmem:v8+s1+$0x0] =	vst.idx.add.s32.msk $0xffff, v1  }
0x4e: {  	[tilespmem:s20+$0x0] =	vst v5  }
0x4f: {  	v5 =	vld [tilespmem:s26+$0x10]  }
0x50: {  	[tilespmem:s21+$0x20] =	vst v3  }
0x51: {  	v10 =	vshra.s32 v7, $0x12;
	[tilespmem:v2+s1+$0x0] =	vst.idx.add.s32.msk $0xffff, v1  }
0x52: {  	v2 =	vld [tilespmem:s30+$0x30]  }
0x53: {  	[tilespmem:s21+$0xFFFFFFB0] =	vst v6  }
0x54: {  	[tilespmem:s20+$0xFFFFFF90] =	vst v4;
	v3 =	vshra.s32 v5, $0x12;
	v4 =	vld [tilespmem:s30+$0xFFFFFFC0]  }
0x55: {  	v6 =	vld [tilespmem:s26+$0xFFFFFFA0]  }
0x56: {  	s23 =	sadd.s32 $0x100, s20;
	[tilespmem:v10+s1+$0x0] =	vst.idx.add.s32.msk $0xffff, v1  }
0x57: {  	v9 =	vld [tilespmem:s22+$0x0];
	[tilespmem:s23+$0xFFFFFF80] =	vst v7;
	v8 =	vshra.s32 v2, $0x12  }
0x58: {  	v7 =	vld [tilespmem:s22+$0xFFFFFF90]  }
0x59: {  	[tilespmem:v3+s1+$0x0] =	vst.idx.add.s32.msk $0xffff, v1;
	v3 =	vshra.s32 v4, $0x12  }
0x5a: {  	[tilespmem:s20+$0x10] =	vst v5;
	v5 =	vshra.s32 v6, $0x12  }
0x5b: {  	v11 =	vld [tilespmem:s26+$0x20]  }
0x5c: {  	[tilespmem:v8+s1+$0x0] =	vst.idx.add.s32.msk $0xffff, v1  }
0x5d: {  	v8 =	vshra.s32 v9, $0x12;
	[tilespmem:s21+$0x30] =	vst v2  }
0x5e: {  	v12 =	vshra.s32 v7, $0x12;
	[tilespmem:v3+s1+$0x0] =	vst.idx.add.s32.msk $0xffff, v1  }
0x5f: {  	[tilespmem:v5+s1+$0x0] =	vst.idx.add.s32.msk $0xffff, v1  }
0x60: {  	[tilespmem:s20+$0xFFFFFFA0] =	vst v6;
	v6 =	vld [tilespmem:s30+$0x40]  }
0x61: {  	v5 =	vshra.s32 v11, $0x12;
	v3 =	vld [tilespmem:s26+$0xFFFFFFB0]  }
0x62: {  	[tilespmem:v8+s1+$0x0] =	vst.idx.add.s32.msk $0xffff, v1  }
0x63: {  	s24 =	sadd.s32 $0x100, s22;
	[tilespmem:v12+s1+$0x0] =	vst.idx.add.s32.msk $0xffff, v1  }
0x64: {  	[tilespmem:s23+$0x0] =	vst v9;
	v9 =	vld [tilespmem:s24+$0x0]  }
0x65: {  	v2 =	vld [tilespmem:s22+$0x10];
	v10 =	vshra.s32 v6, $0x12  }
0x66: {  	[tilespmem:v5+s1+$0x0] =	vst.idx.add.s32.msk $0xffff, v1;
	v8 =	vshra.s32 v3, $0x12  }
0x67: {  	[tilespmem:s20+$0x20] =	vst v11  }
0x68: {  	[tilespmem:s21+$0xFFFFFFC0] =	vst v4;
	v11 =	vld [tilespmem:s26+$0x30]  }
0x69: {  	[tilespmem:s23+$0xFFFFFF90] =	vst v7;
	v5 =	vld [tilespmem:s30+$0xFFFFFFD0];
	v13 =	vshra.s32 v9, $0x12  }
0x6a: {  	v4 =	vshra.s32 v2, $0x12;
	[tilespmem:v10+s1+$0x0] =	vst.idx.add.s32.msk $0xffff, v1  }
0x6b: {  	[tilespmem:v8+s1+$0x0] =	vst.idx.add.s32.msk $0xffff, v1  }
0x6c: {  	v8 =	vld [tilespmem:s24+$0xFFFFFF80];
	[tilespmem:s20+$0xFFFFFFB0] =	vst v3  }
0x6d: {  	[tilespmem:s21+$0x40] =	vst v6;
	v10 =	vshra.s32 v11, $0x12;
	v3 =	vld [tilespmem:s26+$0xFFFFFFC0]  }
0x6e: {  	[tilespmem:v13+s1+$0x0] =	vst.idx.add.s32.msk $0xffff, v1  }
0x6f: {  	s25 =	sadd.s32 $0x100, s23;
	[tilespmem:v4+s1+$0x0] =	vst.idx.add.s32.msk $0xffff, v1;
	v4 =	vshra.s32 v5, $0x12  }
0x70: {  	v7 =	vld [tilespmem:s22+$0xFFFFFFA0];
	[tilespmem:s25+$0x0] =	vst v9  }
0x71: {  	[tilespmem:s23+$0x10] =	vst v2;
	v9 =	vld [tilespmem:s24+$0x10];
	v12 =	vshra.s32 v8, $0x12  }
0x72: {  	[tilespmem:v10+s1+$0x0] =	vst.idx.add.s32.msk $0xffff, v1  }
0x73: {  	v10 =	vld [tilespmem:s22+$0x20];
	v6 =	vshra.s32 v3, $0x12;
	[tilespmem:s20+$0x30] =	vst v11  }
0x74: {  	[tilespmem:v4+s1+$0x0] =	vst.idx.add.s32.msk $0xffff, v1  }
0x75: {  	v11 =	vld [tilespmem:s26+$0x40];
	[tilespmem:s21+$0xFFFFFFD0] =	vst v5;
	v5 =	vshra.s32 v7, $0x12  }
0x76: {  	v14 =	vshra.s32 v9, $0x12;
	[tilespmem:v12+s1+$0x0] =	vst.idx.add.s32.msk $0xffff, v1  }
0x77: {  	v4 =	vld [tilespmem:s30+$0x50];
	[tilespmem:s25+$0xFFFFFF80] =	vst v8  }
0x78: {  	[tilespmem:v6+s1+$0x0] =	vst.idx.add.s32.msk $0xffff, v1  }
0x79: {  	v2 =	vld [tilespmem:s30+$0xFFFFFFE0];
	v8 =	vshra.s32 v10, $0x12;
	[tilespmem:s20+$0xFFFFFFC0] =	vst v3  }
0x7a: {  	[tilespmem:v5+s1+$0x0] =	vst.idx.add.s32.msk $0xffff, v1  }
0x7b: {  	v3 =	vshra.s32 v11, $0x12;
	[tilespmem:v14+s1+$0x0] =	vst.idx.add.s32.msk $0xffff, v1  }
0x7c: {  	v12 =	vld [tilespmem:s24+$0xFFFFFF90];
	[tilespmem:s23+$0xFFFFFFA0] =	vst v7  }
0x7d: {  	v5 =	vshra.s32 v4, $0x12;
	v7 =	vld [tilespmem:s22+$0xFFFFFFB0]  }
0x7e: {  	s28 =	sadd.s32 $0x100, s24;
	[tilespmem:v8+s1+$0x0] =	vst.idx.add.s32.msk $0xffff, v1  }
0x7f: {  	v13 =	vld [tilespmem:s28+$0x0];
	[tilespmem:s23+$0x20] =	vst v10  }
0x80: {  	v6 =	vshra.s32 v2, $0x12;
	[tilespmem:v3+s1+$0x0] =	vst.idx.add.s32.msk $0xffff, v1  }
0x81: {  	[tilespmem:s25+$0x10] =	vst v9;
	v9 =	vld [tilespmem:s22+$0x30]  }
0x82: {  	v14 =	vshra.s32 v12, $0x12;
	[tilespmem:v5+s1+$0x0] =	vst.idx.add.s32.msk $0xffff, v1  }
0x83: {  	v5 =	vld [tilespmem:s26+$0xFFFFFFD0];
	[tilespmem:s21+$0x50] =	vst v4;
	v4 =	vshra.s32 v7, $0x12  }
0x84: {  	v8 =	vld [tilespmem:s30+$0x60]  }
0x85: {  	[tilespmem:v6+s1+$0x0] =	vst.idx.add.s32.msk $0xffff, v1  }
0x86: {  	v6 =	vld [tilespmem:s28+$0xFFFFFF80];
	[tilespmem:s21+$0xFFFFFFE0] =	vst v2  }
0x87: {  	[tilespmem:v14+s1+$0x0] =	vst.idx.add.s32.msk $0xffff, v1;
	v14 =	vshra.s32 v9, $0x12  }
0x88: {  	[tilespmem:v4+s1+$0x0] =	vst.idx.add.s32.msk $0xffff, v1;
	v4 =	vshra.s32 v5, $0x12  }
0x89: {  	v2 =	vld [tilespmem:s30+$0xFFFFFFF0];
	[tilespmem:s25+$0xFFFFFF90] =	vst v12;
	v10 =	vshra.s32 v8, $0x12  }
0x8a: {  	v12 =	vld [tilespmem:s24+$0xFFFFFFA0];
	[tilespmem:s23+$0xFFFFFFB0] =	vst v7  }
0x8b: {  	[tilespmem:s20+$0x40] =	vst v11;
	v7 =	vld [tilespmem:s22+$0xFFFFFFC0]  }
0x8c: {  	v11 =	vshra.s32 v13, $0x12;
	[tilespmem:v14+s1+$0x0] =	vst.idx.add.s32.msk $0xffff, v1  }
0x8d: {  	[tilespmem:v4+s1+$0x0] =	vst.idx.add.s32.msk $0xffff, v1  }
0x8e: {  	[tilespmem:v10+s1+$0x0] =	vst.idx.add.s32.msk $0xffff, v1;
	v10 =	vshra.s32 v6, $0x12  }
0x8f: {  	v3 =	vld [tilespmem:s24+$0x20];
	[tilespmem:s21+$0x60] =	vst v8  }
0x90: {  	v14 =	vshra.s32 v12, $0x12;
	v4 =	vld [tilespmem:s30+$0x70]  }
0x91: {  	[tilespmem:v11+s1+$0x0] =	vst.idx.add.s32.msk $0xffff, v1;
	v8 =	vshra.s32 v7, $0x12  }
0x92: {  	[tilespmem:s23+$0x30] =	vst v9;
	v9 =	vld [tilespmem:s26+$0x50]  }
0x93: {  	[tilespmem:v10+s1+$0x0] =	vst.idx.add.s32.msk $0xffff, v1;
	v10 =	vshra.s32 v2, $0x12  }
0x94: {  	[tilespmem:s20+$0xFFFFFFD0] =	vst v5;
	v5 =	vld [tilespmem:s22+$0x40]  }
0x95: {  	[tilespmem:v14+s1+$0x0] =	vst.idx.add.s32.msk $0xffff, v1;
	v15 =	vshra.s32 v4, $0x12  }
0x96: {  	s30 =	sadd.s32 $0x100, s25;
	[tilespmem:v8+s1+$0x0] =	vst.idx.add.s32.msk $0xffff, v1  }
0x97: {  	[tilespmem:s30+$0x0] =	vst v13;
	v8 =	vld [tilespmem:s26+$0xFFFFFFE0]  }
0x98: {  	[tilespmem:v10+s1+$0x0] =	vst.idx.add.s32.msk $0xffff, v1  }
0x99: {  	s31 =	sadd.s32 s5, s29;
	[tilespmem:s25+$0xFFFFFFA0] =	vst v12;
	v10 =	vld [tilespmem:s28+$0x10]  }
0x9a: {  	s0 =	simm.s32 $0x8;
	s29 =	sor.u32 $0xA000, s2;
	s2 =	sadd.s32 $0x100, s28;
	v13 =	vshra.s32 v9, $0x12;
	v12 =	vshra.s32 v3, $0x12;
	v11 =	vshra.s32 v5, $0x12;
	[tilespmem:v15+s1+$0x0] =	vst.idx.add.s32.msk $0xffff, v1  }
.LBB2_5:
0x9b: {  	s0 =	sadd.s32 $0x2, s0;
	[tilespmem:s21+$0x70] =	vst v4  }
0x9c: {  	p2 =	slt.u32 s0, $0x7E;
	[tilespmem:s30+$0xFFFFFF80] =	vst v6;
	v4 =	vld [tilespmem:s24+$0xFFFFFFB0];
	v6 =	vshra.s32 v8, $0x12  }
0x9d: {  	v14 =	vld [tilespmem:s28+$0xFFFFFF90];
	[tilespmem:s21+$0xFFFFFFF0] =	vst v2;
	s21 =	smov.u32 s20;
	s20 =	smov.u32 s23;
	s23 =	smov.u32 s25  }
0x9e: {  	s25 =	smov.u32 s30;
	v15 =	vld [tilespmem:s2+$0x0];
	v2 =	vshra.s32 v10, $0x12;
	[tilespmem:s20+$0xFFFFFFC0] =	vst v7  }
0x9f: {  	[tilespmem:v13+s1+$0x0] =	vst.idx.add.s32.msk $0xffff, v1  }
0xa0: {  	v13 =	vld [tilespmem:s22+$0xFFFFFFD0];
	[tilespmem:s21+$0x50] =	vst v9  }
0xa1: {  	[tilespmem:v6+s1+$0x0] =	vst.idx.add.s32.msk $0xffff, v1  }
0xa2: {  	v7 =	vshra.s32 v14, $0x12;
	[tilespmem:v12+s1+$0x0] =	vst.idx.add.s32.msk $0xffff, v1  }
0xa3: {  	[tilespmem:v2+s1+$0x0] =	vst.idx.add.s32.msk $0xffff, v1;
	v2 =	vshra.s32 v4, $0x12  }
0xa4: {  	v12 =	vshra.s32 v15, $0x12;
	[tilespmem:s21+$0xFFFFFFE0] =	vst v8;
	v8 =	vld [tilespmem:s26+$0x60]  }
0xa5: {  	v6 =	vld [tilespmem:s2+$0xFFFFFF80];
	[tilespmem:s23+$0x20] =	vst v3  }
0xa6: {  	[tilespmem:v11+s1+$0x0] =	vst.idx.add.s32.msk $0xffff, v1  }
0xa7: {  	[tilespmem:s30+$0x10] =	vst v10;
	v9 =	vld [tilespmem:s24+$0x30]  }
0xa8: {  	s30 =	sadd.s32 $0x100, s30;
	[tilespmem:v2+s1+$0x0] =	vst.idx.add.s32.msk $0xffff, v1;
	v2 =	vshra.s32 v13, $0x12  }
0xa9: {  	v3 =	vld [tilespmem:s28+$0x20];
	[tilespmem:s23+$0xFFFFFFB0] =	vst v4;
	v4 =	vshra.s32 v8, $0x12  }
0xaa: {  	[tilespmem:v7+s1+$0x0] =	vst.idx.add.s32.msk $0xffff, v1  }
0xab: {  	v10 =	vshra.s32 v6, $0x12;
	[tilespmem:s25+$0xFFFFFF90] =	vst v14;
	v7 =	vld [tilespmem:s24+$0xFFFFFFC0]  }
0xac: {  	v14 =	vld [tilespmem:s28+$0xFFFFFFA0];
	v11 =	vshra.s32 v9, $0x12;
	[tilespmem:s20+$0x40] =	vst v5  }
0xad: {  	[tilespmem:v2+s1+$0x0] =	vst.idx.add.s32.msk $0xffff, v1  }
0xae: {  	[tilespmem:v4+s1+$0x0] =	vst.idx.add.s32.msk $0xffff, v1  }
0xaf: {  	v2 =	vld [tilespmem:s26+$0xFFFFFFF0];
	[tilespmem:s21+$0x60] =	vst v8  }
0xb0: {  	v8 =	vshra.s32 v7, $0x12;
	[tilespmem:s20+$0xFFFFFFD0] =	vst v13;
	v4 =	vld [tilespmem:s26+$0x70];
	s26 =	smov.u32 s22;
	s22 =	smov.u32 s24;
	s24 =	smov.u32 s28  }
0xb1: {  	s28 =	smov.u32 s2;
	[tilespmem:v11+s1+$0x0] =	vst.idx.add.s32.msk $0xffff, v1  }
0xb2: {  	v11 =	vshra.s32 v14, $0x12;
	[tilespmem:s23+$0x30] =	vst v9;
	v9 =	vld [tilespmem:s26+$0x50]  }
0xb3: {  	v5 =	vld [tilespmem:s22+$0x40]  }
0xb4: {  	[tilespmem:v10+s1+$0x0] =	vst.idx.add.s32.msk $0xffff, v1;
	v10 =	vshra.s32 v2, $0x12  }
0xb5: {  	[tilespmem:v8+s1+$0x0] =	vst.idx.add.s32.msk $0xffff, v1  }
0xb6: {  	v16 =	vshra.s32 v4, $0x12;
	[tilespmem:v12+s1+$0x0] =	vst.idx.add.s32.msk $0xffff, v1  }
.Ltmp1:
0xb7: {  	[tilespmem:v11+s1+$0x0] =	vst.idx.add.s32.msk $0xffff, v1;
	(pc) =	sbr.rel @p2 .LBB2_5-.Ltmp1, $4  }
0xb8: {  	v12 =	vshra.s32 v3, $0x12;
	[tilespmem:s30+$0x0] =	vst v15;
	v11 =	vshra.s32 v5, $0x12;
	v8 =	vld [tilespmem:s26+$0xFFFFFFE0]  }
0xb9: {  	[tilespmem:v10+s1+$0x0] =	vst.idx.add.s32.msk $0xffff, v1  }
0xba: {  	v10 =	vld [tilespmem:s2+$0x10];
	[tilespmem:s25+$0xFFFFFFA0] =	vst v14  }
0xbb: {  	v13 =	vshra.s32 v9, $0x12;
	s2 =	sadd.s32 $0x100, s2;
	[tilespmem:v16+s1+$0x0] =	vst.idx.add.s32.msk $0xffff, v1  }
0xbc: {  	_ =	sdelay $0x2  }
0xbd: {  	[tilespmem:s30+$0xFFFFFF80] =	vst v6  }
0xbe: {  	[tilespmem:v13+s1+$0x0] =	vst.idx.add.s32.msk $0xffff, v1  }
0xbf: {  	v14 =	vld [tilespmem:s28+$0xFFFFFF90]  }
0xc0: {  	[tilespmem:s23+$0xFFFFFFC0] =	vst v7;
	v23 =	vld [tilespmem:s24+$0xFFFFFFB0];
	v21 =	vshra.s32 v8, $0x12  }
0xc1: {  	[tilespmem:v12+s1+$0x0] =	vst.idx.add.s32.msk $0xffff, v1;
	v22 =	vshra.s32 v10, $0x12  }
0xc2: {  	[tilespmem:v11+s1+$0x0] =	vst.idx.add.s32.msk $0xffff, v1  }
0xc3: {  	[tilespmem:s20+$0x50] =	vst v9;
	v25 =	vld [tilespmem:s22+$0xFFFFFFD0]  }
0xc4: {  	[tilespmem:s25+$0x20] =	vst v3;
	v26 =	vld [tilespmem:s26+$0x60];
	v24 =	vshra.s32 v14, $0x12  }
0xc5: {  	[tilespmem:v21+s1+$0x0] =	vst.idx.add.s32.msk $0xffff, v1  }
0xc6: {  	[tilespmem:v22+s1+$0x0] =	vst.idx.add.s32.msk $0xffff, v1  }
0xc7: {  	v31 =	vld [tilespmem:s24+$0x30];
	v27 =	vshra.s32 v23, $0x12;
	[tilespmem:s30+$0x10] =	vst v10  }
0xc8: {  	[tilespmem:s23+$0x40] =	vst v5;
	v3 =	vld [tilespmem:s28+$0x20]  }
0xc9: {  	v29 =	vshra.s32 v25, $0x12;
	[tilespmem:v24+s1+$0x0] =	vst.idx.add.s32.msk $0xffff, v1  }
0xca: {  	v40 =	vld [tilespmem:s22+$0x50];
	[tilespmem:s30+$0xFFFFFF90] =	vst v14  }
0xcb: {  	v30 =	vshra.s32 v26, $0x12;
	[tilespmem:s20+$0xFFFFFFE0] =	vst v8;
	v28 =	vld [tilespmem:s28+$0xFFFFFFA0]  }
0xcc: {  	v36 =	vshra.s32 v31, $0x12;
	[tilespmem:v27+s1+$0x0] =	vst.idx.add.s32.msk $0xffff, v1  }
0xcd: {  	v35 =	vld [tilespmem:s26+$0xFFFFFFF0];
	[tilespmem:s25+$0xFFFFFFB0] =	vst v23;
	v34 =	vshra.s32 v3, $0x12  }
0xce: {  	[tilespmem:v29+s1+$0x0] =	vst.idx.add.s32.msk $0xffff, v1  }
0xcf: {  	v33 =	vld [tilespmem:s24+$0xFFFFFFC0]  }
0xd0: {  	[tilespmem:v30+s1+$0x0] =	vst.idx.add.s32.msk $0xffff, v1;
	v32 =	vshra.s32 v28, $0x12  }
0xd1: {  	[tilespmem:v36+s1+$0x0] =	vst.idx.add.s32.msk $0xffff, v1  }
0xd2: {  	[tilespmem:v34+s1+$0x0] =	vst.idx.add.s32.msk $0xffff, v1  }
0xd3: {  	v43 =	vshra.s32 v40, $0x12;
	[tilespmem:s30+$0x20] =	vst v3  }
0xd4: {  	v3 =	vshra.s32 v35, $0x12;
	v38 =	vld [tilespmem:s28+$0x30]  }
0xd5: {  	[tilespmem:v32+s1+$0x0] =	vst.idx.add.s32.msk $0xffff, v1  }
0xd6: {  	[tilespmem:s30+$0xFFFFFFA0] =	vst v28  }
0xd7: {  	[tilespmem:s23+$0xFFFFFFD0] =	vst v25;
	v37 =	vshra.s32 v33, $0x12;
	v13 =	vld [tilespmem:s28+$0xFFFFFFB0]  }
0xd8: {  	[tilespmem:v43+s1+$0x0] =	vst.idx.add.s32.msk $0xffff, v1  }
0xd9: {  	[tilespmem:v3+s1+$0x0] =	vst.idx.add.s32.msk $0xffff, v1;
	v3 =	vshra.s32 v38, $0x12  }
0xda: {  	[tilespmem:s25+$0x30] =	vst v31;
	v9 =	vld [tilespmem:s22+$0xFFFFFFE0]  }
0xdb: {  	[tilespmem:s20+$0x60] =	vst v26;
	v42 =	vld [tilespmem:s24+$0x40]  }
0xdc: {  	[tilespmem:v37+s1+$0x0] =	vst.idx.add.s32.msk $0xffff, v1;
	v41 =	vshra.s32 v13, $0x12  }
0xdd: {  	v12 =	vld [tilespmem:s26+$0x70];
	[tilespmem:s25+$0xFFFFFFC0] =	vst v33  }
0xde: {  	[tilespmem:v3+s1+$0x0] =	vst.idx.add.s32.msk $0xffff, v1  }
0xdf: {  	v46 =	vshra.s32 v9, $0x12;
	v8 =	vld [tilespmem:s24+$0xFFFFFFD0];
	[tilespmem:s30+$0x30] =	vst v38  }
0xe0: {  	v3 =	vshra.s32 v42, $0x12;
	v5 =	vld [tilespmem:s28+$0x40]  }
0xe1: {  	[tilespmem:v41+s1+$0x0] =	vst.idx.add.s32.msk $0xffff, v1  }
0xe2: {  	[tilespmem:s30+$0xFFFFFFB0] =	vst v13  }
0xe3: {  	[tilespmem:s23+$0x50] =	vst v40;
	v39 =	vshra.s32 v12, $0x12;
	v10 =	vld [tilespmem:s28+$0xFFFFFFC0]  }
0xe4: {  	[tilespmem:v46+s1+$0x0] =	vst.idx.add.s32.msk $0xffff, v1;
	v47 =	vshra.s32 v8, $0x12  }
0xe5: {  	[tilespmem:v3+s1+$0x0] =	vst.idx.add.s32.msk $0xffff, v1;
	v3 =	vshra.s32 v5, $0x12  }
0xe6: {  	v50 =	vld [tilespmem:s22+$0x60];
	[tilespmem:s25+$0x40] =	vst v42  }
0xe7: {  	v45 =	vld [tilespmem:s24+$0x50]  }
0xe8: {  	[tilespmem:v39+s1+$0x0] =	vst.idx.add.s32.msk $0xffff, v1;
	v44 =	vshra.s32 v10, $0x12  }
0xe9: {  	[tilespmem:v47+s1+$0x0] =	vst.idx.add.s32.msk $0xffff, v1  }
0xea: {  	[tilespmem:v3+s1+$0x0] =	vst.idx.add.s32.msk $0xffff, v1  }
0xeb: {  	[tilespmem:s30+$0x40] =	vst v5  }
0xec: {  	v3 =	vshra.s32 v45, $0x12;
	v5 =	vld [tilespmem:s28+$0x50]  }
0xed: {  	[tilespmem:v44+s1+$0x0] =	vst.idx.add.s32.msk $0xffff, v1  }
0xee: {  	v53 =	vshra.s32 v50, $0x12;
	[tilespmem:s30+$0xFFFFFFC0] =	vst v10  }
0xef: {  	v48 =	vld [tilespmem:s28+$0xFFFFFFD0]  }
0xf0: {  	[tilespmem:s25+$0xFFFFFFD0] =	vst v8  }
0xf1: {  	[tilespmem:v3+s1+$0x0] =	vst.idx.add.s32.msk $0xffff, v1;
	v51 =	vshra.s32 v5, $0x12  }
0xf2: {  	[tilespmem:s23+$0xFFFFFFE0] =	vst v9;
	v3 =	vld [tilespmem:s24+$0xFFFFFFE0]  }
0xf3: {  	[tilespmem:v53+s1+$0x0] =	vst.idx.add.s32.msk $0xffff, v1  }
0xf4: {  	v56 =	vld [tilespmem:s22+$0xFFFFFFF0];
	[tilespmem:s25+$0x50] =	vst v45;
	v49 =	vshra.s32 v48, $0x12  }
0xf5: {  	v52 =	vld [tilespmem:s24+$0x60]  }
0xf6: {  	[tilespmem:v51+s1+$0x0] =	vst.idx.add.s32.msk $0xffff, v1  }
0xf7: {  	v54 =	vshra.s32 v3, $0x12;
	[tilespmem:s30+$0x50] =	vst v5  }
0xf8: {  	[tilespmem:s21+$0xFFFFFFF0] =	vst v2;
	v8 =	vld [tilespmem:s28+$0x60]  }
0xf9: {  	v60 =	vshra.s32 v56, $0x12;
	[tilespmem:v49+s1+$0x0] =	vst.idx.add.s32.msk $0xffff, v1  }
0xfa: {  	v55 =	vshra.s32 v52, $0x12;
	[tilespmem:s30+$0xFFFFFFD0] =	vst v48  }
0xfb: {  	[tilespmem:s23+$0x60] =	vst v50;
	v2 =	vld [tilespmem:s28+$0xFFFFFFE0]  }
0xfc: {  	[tilespmem:v54+s1+$0x0] =	vst.idx.add.s32.msk $0xffff, v1  }
0xfd: {  	v58 =	vld [tilespmem:s22+$0x70];
	[tilespmem:s25+$0xFFFFFFE0] =	vst v3;
	v3 =	vshra.s32 v8, $0x12  }
0xfe: {  	[tilespmem:v60+s1+$0x0] =	vst.idx.add.s32.msk $0xffff, v1  }
0xff: {  	[tilespmem:v55+s1+$0x0] =	vst.idx.add.s32.msk $0xffff, v1  }
0x100: {  	v59 =	vld [tilespmem:s24+$0xFFFFFFF0];
	[tilespmem:s25+$0x60] =	vst v52;
	v57 =	vshra.s32 v2, $0x12  }
0x101: {  	[tilespmem:s21+$0x70] =	vst v4;
	v4 =	vld [tilespmem:s24+$0x70]  }
0x102: {  	[tilespmem:v3+s1+$0x0] =	vst.idx.add.s32.msk $0xffff, v1  }
0x103: {  	v61 =	vshra.s32 v58, $0x12;
	[tilespmem:s30+$0x60] =	vst v8  }
0x104: {  	[tilespmem:s20+$0x70] =	vst v12;
	v8 =	vld [tilespmem:s28+$0x70]  }
0x105: {  	v3 =	vshra.s32 v59, $0x12;
	[tilespmem:v57+s1+$0x0] =	vst.idx.add.s32.msk $0xffff, v1  }
0x106: {  	[tilespmem:s30+$0xFFFFFFE0] =	vst v2  }
0x107: {  	[tilespmem:s20+$0xFFFFFFF0] =	vst v35;
	v62 =	vshra.s32 v4, $0x12;
	v2 =	vld [tilespmem:s28+$0xFFFFFFF0]  }
0x108: {  	[tilespmem:v61+s1+$0x0] =	vst.idx.add.s32.msk $0xffff, v1  }
0x109: {  	[tilespmem:s23+$0xFFFFFFF0] =	vst v56  }
0x10a: {  	[tilespmem:v3+s1+$0x0] =	vst.idx.add.s32.msk $0xffff, v1;
	v3 =	vshra.s32 v8, $0x12  }
0x10b: {  	[tilespmem:s23+$0x70] =	vst v58  }
0x10c: {  	[tilespmem:v62+s1+$0x0] =	vst.idx.add.s32.msk $0xffff, v1;
	v63 =	vshra.s32 v2, $0x12  }
0x10d: {  	[tilespmem:s25+$0x70] =	vst v4  }
0x10e: {  	[tilespmem:s25+$0xFFFFFFF0] =	vst v59  }
0x10f: {  	[tilespmem:v3+s1+$0x0] =	vst.idx.add.s32.msk $0xffff, v1  }
0x110: {  	p2 =	seq.s32 s18, $0x3;
	s0 =	simm.s32 $0x1;
	[tilespmem:s30+$0x70] =	vst v8  }
0x111: {  	p1 =	por p2, p1;
	s0 =	simm.s32 @!p0 $0x0;
	[tilespmem:v63+s1+$0x0] =	vst.idx.add.s32.msk $0xffff, v1  }
0x112: {  	s2 =	sshll.u32 @p1 s31, $0xB;
	s19 =	sadd.s32 @p1 $0x3, s19;
	s14 =	sadd.s32 s0, s14;
	[tilespmem:s30+$0xFFFFFFF0] =	vst v2  }
0x113: {  	s0 =	simm.s32 $0x1;
	s2 =	sand.u32 @p1 $0x1FFFF800, s2;
	_ =	strace $0x9000004B  }
0x114: {  	s2 =	sadd.s32 @p1 s4, s2;
	s20 =	simm.s32 @p1 $0x0;
	_ =	strace @p1 $0x8000004C  }
0x115: {  	[hbm4b:s2+s20] =	stream.linear.scatter @p1 [tilespmem:s29], [sflag:s19], $0x4000, $0x200038;
	[tilespmem:$0x12000] =	vst v63  }
0x116: {  	p0 =	seq.s32 s18, $0x0;
	s0 =	simm.s32 @!p1 $0x0;
	s19 =	simm.s32 $0x1  }
0x117: {  	_ =	strace @p1 $0x9000004C;
	p1 =	sne.s32 s18, $0x0;
	s18 =	sadd.s32 $0x1, s18  }
0x118: {  	s2 =	sand.u32 @!p0 $0x1, s15;
	s19 =	simm.s32 @!p1 $0x0;
	p1 =	sne.s32 s18, $0x4  }
.Ltmp2:
0x119: {  	s2 =	sadd.s32 @!p0 $0x3, s2;
	_ =	strace @!p0 $0x8000004D;
	(pc) =	sbr.rel @p1 .LBB2_4-.Ltmp2, $4  }
0x11a: {  	_ =	swait.ge @!p0 [sflag:s2], $0x4000  }
0x11b: {  	[sflag:s2] =	ssyncset.done @!p0 $0x0  }
0x11c: {  	s16 =	sadd.s32 s0, s16;
	[sflag:s2] =	ssyncadd.s32 @!p0 $0xFFFFC000  }
0x11d: {  	s17 =	sadd.s32 s0, s17;
	s15 =	sadd.s32 s19, s15;
	_ =	strace @!p0 $0x9000004D  }
0x11e: {  	_ =	strace $0x8000004E  }
0x11f: {  	_ =	swait.ge [sflag:s11], $0x4000  }
0x120: {  	s12 =	sadd.s32 $0x1, s12;
	[sflag:s11] =	ssyncset.done $0x0  }
0x121: {  	p0 =	sne.s32 s12, s8;
	[sflag:s11] =	ssyncadd.s32 $0xFFFFC000  }
.Ltmp3:
0x122: {  	_ =	strace $0x9000004E;
	(pc) =	sbr.rel @p0 .LBB2_1-.Ltmp3, $4  }
0x123: {  	[hbm4b:s7+s1] =	stream.linear.scatter [tilespmem:s1], [sflag:$0x1], $0x2000, $0x38;
	[tilespmem:$0x12000] =	vst v63  }
0x124: {  	_ =	swait.ge [sflag:s10], $0x2000  }
0x125: {  	[sflag:s10] =	ssyncset.done $0x0  }
0x126: {  	[sflag:s10] =	ssyncadd.s32 $0xFFFFE000  }
0x127: {  	_ =	sfence.sel $0x180000  }
0x128: {  	[bflag:$0x0] =	sbarrier.arrive $0xFFFF  }
0x129: {  	_ =	strace $0x90000047  }
0x12a: {  	s0 =	stileid.u32;
	[bflag:$0x2] =	sbarrier.arrive $0xFFFF  }
0x12b: {  	p0 =	sne.s32 s0, $0x0;
	s0 =	rddreg [dreg:$0x1]  }
0x12c: {  	s0 =	sadd.s32 @!p0 $0x100000, s0  }
0x12d: {  	[sflag:s0] =	ssyncadd.tile.s32 @!p0 $0x1;
	_ =	shalt  }
.Lfunc_end2:
_tile_overlayer_lowered:
.L_overlay_start_2:
0x12e: {  	(tag) =	ssettag $0x2  }
0x12f: {  	s0 =	rddreg [dreg:$0x0];
	s2 =	stileid.u32  }
0x130: {  	s1 =	rddreg [dreg:$0x1];
	p0 =	sne.s32 s2, $0x0  }
0x131: {  	s3 =	rddreg [dreg:$0x2];
	[bflag:$0x3] =	sbarrier.arrive $0xFFFF;
	s2 =	simm.s32 @!p0 $0x1C01  }
0x132: {  	[timem:s3], [sflag:s2] =	dma.local @!p0 [hbm:s0], s1  }
0x133: {  	s0 =	simm.s32 @!p0 $0x1  }
0x134: {  	_ =	swait.ge @!p0 [sflag:s0], s1  }
0x135: {  	s1 =	ssub.s32 @!p0 $0x0, s1;
	[sflag:s0] =	ssyncset.done @!p0 $0x0  }
0x136: {  	[sflag:s0] =	ssyncadd.s32 @!p0 s1  }
0x137: {  	[bflag:$0x3] =	sbarrier.arrive $0xFFFF  }
0x138: {  	_ =	shalt  }

</sc_bundles>
